<compile_context>
chip_gen: v7x
topology: tpu7x:2x2x1
jax: 0.10.2.dev20260603
libtpu: 0.0.44.dev20260713+nightly
codegen_flags: <defaults>
</compile_context>

<pallas_src>
import jax
import jax.numpy as jnp
from jax import lax
from jax.experimental import pallas as pl
from jax.experimental.pallas import tpu as pltpu
from jax.experimental.pallas import tpu_sc as plsc

_B = 16
_MAX_LEN = 2048
_TOTAL = 16384
_LANES = 16
_W = _MAX_LEN + _LANES
_CHUNKS = _MAX_LEN // _LANES


_UNROLL = 8


def _emit_row(val_hbm, out_hbm, win_v, row_v, astart, shift_v, len_v16, sub):
    pltpu.sync_copy(val_hbm.at[pl.ds(astart, _W)], win_v)
    iota = lax.iota(jnp.int32, _LANES)
    zero = jnp.zeros((_LANES,), dtype=val_hbm.dtype)

    def group(g, _):
        base = g * (_LANES * _UNROLL)
        for u in range(_UNROLL):
            pos = iota + (base + u * _LANES)
            mask = pos < len_v16
            vals = plsc.load_gather(win_v, [pos + shift_v], mask=mask)
            off = pl.multiple_of(base + u * _LANES, _LANES)
            row_v[pl.ds(off, _LANES)] = jnp.where(mask, vals, zero)
        return 0

    lax.fori_loop(0, _CHUNKS // _UNROLL, group, 0)
    pltpu.sync_copy(row_v, out_hbm.at[sub])


def _body(item_hbm, price_hbm, off_hbm, out_item, out_price, out_li, out_lp,
          off_v, win_i, win_f, row_i, row_f, len_v):
    core = lax.axis_index("c")
    sub = lax.axis_index("s")
    pltpu.sync_copy(off_hbm, off_v)
    sub_splat = jnp.full((_LANES,), sub, dtype=jnp.int32)
    start_v = plsc.load_gather(off_v, [sub_splat])
    end_v = plsc.load_gather(off_v, [sub_splat + 1])
    len_v16 = end_v - start_v
    astart_v = jnp.minimum(jnp.bitwise_and(start_v, -_LANES), _TOTAL - _W)
    shift_v = start_v - astart_v
    astart = pl.multiple_of(astart_v[0], _LANES)

    @pl.when(core == 0)
    def _():
        _emit_row(item_hbm, out_item, win_i, row_i, astart, shift_v, len_v16, sub)

    @pl.when(core == 1)
    def _():
        _emit_row(price_hbm, out_price, win_f, row_f, astart, shift_v, len_v16, sub)

    @pl.when(sub == 0)
    def _():
        iota = lax.iota(jnp.int32, _LANES)
        lo = plsc.load_gather(off_v, [iota])
        hi = plsc.load_gather(off_v, [iota + 1])
        len_v[...] = hi - lo

        @pl.when(core == 0)
        def _():
            pltpu.sync_copy(len_v, out_li)

        @pl.when(core == 1)
        def _():
            pltpu.sync_copy(len_v, out_lp)


@jax.jit
def _padder(item_i32, price_f32, off_pad):
    mesh = plsc.VectorSubcoreMesh(core_axis_name="c", subcore_axis_name="s")
    return pl.kernel(
        _body,
        out_type=[
            jax.ShapeDtypeStruct((_B, _MAX_LEN), jnp.int32),
            jax.ShapeDtypeStruct((_B, _MAX_LEN), jnp.float32),
            jax.ShapeDtypeStruct((_B,), jnp.int32),
            jax.ShapeDtypeStruct((_B,), jnp.int32),
        ],
        mesh=mesh,
        scratch_types=[
            pltpu.VMEM((_B + 1,), jnp.int32),
            pltpu.VMEM((_W,), jnp.int32),
            pltpu.VMEM((_W,), jnp.float32),
            pltpu.VMEM((_MAX_LEN,), jnp.int32),
            pltpu.VMEM((_MAX_LEN,), jnp.float32),
            pltpu.VMEM((_LANES,), jnp.int32),
        ],
        compiler_params=pltpu.CompilerParams(needs_layout_passes=False),
        name="tabular_padding_sc",
    )(item_i32, price_f32, off_pad)


def kernel(item_id_values, price_values, offsets):
    item_i32 = item_id_values.astype(jnp.int32)
    price_f32 = price_values.astype(jnp.float32)
    off_i32 = offsets.astype(jnp.int32)
    padded_item, padded_price, len_i, len_p = _padder(item_i32, price_f32, off_i32)
    out_dtype = item_id_values.dtype
    len_dtype = offsets.dtype
    return (padded_item.astype(out_dtype), padded_price,
            len_i.astype(len_dtype), len_p.astype(len_dtype))

# --- scband reference (transcript-rebuilt; emitter-appended) ---
"""Pipeline reference for scband-tabular-padding-44994077393287 (READ-ONLY COPY).

The authoritative reference and input builder live on the scoring server;
editing this copy changes nothing except your own understanding.
"""

import jax, jax.numpy as jnp
import numpy as np

B = 16
MAX_LEN = 2048
TOTAL = 16384


def setup_inputs(seed: int = 0) -> dict:
    key = jax.random.key(seed)
    k1, k2 = jax.random.split(key)
    # Deterministic ragged row lengths that sum to TOTAL and are each <= MAX_LEN
    lengths = np.array([512, 1536] * (B // 2), dtype=np.int64)
    rng = np.random.default_rng(0)
    rng.shuffle(lengths)
    offsets = jnp.asarray(np.concatenate([[0], np.cumsum(lengths)]), dtype=jnp.int64)
    item_id_values = jax.random.randint(k1, (TOTAL,), 1, 100000, dtype=jnp.int64)
    price_values = jax.random.uniform(k2, (TOTAL,), dtype=jnp.float32)
    return {
        "item_id_values": item_id_values,
        "price_values": price_values,
        "offsets": offsets,
    }


def _get_indices(offsets, diff_offsets, total):
    num_rows = offsets.shape[0] - 1
    row_ids = jnp.arange(num_rows)
    row_ids_repeated = jnp.repeat(row_ids, diff_offsets, total_repeat_length=total)
    row_offset_repeated = jnp.repeat(offsets[:-1], diff_offsets, total_repeat_length=total)
    col_ids = jnp.arange(total) - row_offset_repeated
    return row_ids_repeated, col_ids


def _pad_ragged_tensor(values, offsets, padding_length):
    # Faithful to TabularPadding._pad_ragged_tensor: sparse COO -> dense -> pad to padding_length
    num_rows = offsets.shape[0] - 1
    diff_offsets = offsets[1:] - offsets[:-1]
    total = values.shape[0]
    row_ids, col_ids = _get_indices(offsets, diff_offsets, total)
    # scatter-add (COO to_dense sums duplicate indices; here indices are unique)
    dense = jnp.zeros((num_rows, padding_length), dtype=values.dtype).at[row_ids, col_ids].add(values)
    return dense


def reference(item_id_values, price_values, offsets):
    # _get_sequence_lengths
    lengths_item = offsets[1:] - offsets[:-1]
    lengths_price = offsets[1:] - offsets[:-1]
    # equal-length validation is trivially satisfied (shared offsets)
    padded_item = _pad_ragged_tensor(item_id_values, offsets, MAX_LEN)
    padded_price = _pad_ragged_tensor(price_values, offsets, MAX_LEN)
    return (padded_item, padded_price, lengths_item, lengths_price)

if __name__ == "__main__":
    import jax
    _d = setup_inputs()
    print(jax.jit(kernel)(*tuple(_d.values())))

</pallas_src>

<mosaic_0001>
#map = affine_map<(d0, d1) -> (0)>
#map1 = affine_map<(d0, d1) -> (0, 0)>
module attributes {stable_mosaic.version = 14 : i64} {
  func.func @tabular_padding_sc(%arg0: i32, %arg1: i32, %arg2: memref<16384xi32, #tpu.memory_space<hbm>>, %arg3: memref<16384xf32, #tpu.memory_space<hbm>>, %arg4: memref<17xi32, #tpu.memory_space<hbm>>, %arg5: memref<16x2048xi32, #tpu.memory_space<hbm>>, %arg6: memref<16x2048xf32, #tpu.memory_space<hbm>>, %arg7: memref<16xi32, #tpu.memory_space<hbm>>, %arg8: memref<16xi32, #tpu.memory_space<hbm>>, %arg9: memref<17xi32, #tpu.memory_space<vmem>>, %arg10: memref<2064xi32, #tpu.memory_space<vmem>>, %arg11: memref<2064xf32, #tpu.memory_space<vmem>>, %arg12: memref<2048xi32, #tpu.memory_space<vmem>>, %arg13: memref<2048xf32, #tpu.memory_space<vmem>>, %arg14: memref<16xi32, #tpu.memory_space<vmem>>) attributes {dimension_semantics = [#tpu.dimension_semantics<core_parallel>, #tpu.dimension_semantics<subcore_parallel>], iteration_bounds = array<i64: 2, 16>, scalar_prefetch = 0 : i64, scratch_operands = 6 : i64, tpu.core_type = #tpu.core_type<sc_vector_subcore>, window_params = [{transform_indices = #map}, {transform_indices = #map}, {transform_indices = #map}, {transform_indices = #map1}, {transform_indices = #map1}, {transform_indices = #map}, {transform_indices = #map}]} {
    "tpu.region"() ({
      %run_scoped3A = tpu.sem_alloc : memref<!tpu.dma_semaphore, #tpu.memory_space<semaphore_mem>>
      tpu.enqueue_dma source(%arg4 : memref<17xi32, #tpu.memory_space<hbm>>) target(%arg9 : memref<17xi32, #tpu.memory_space<vmem>>) target_semaphore(%run_scoped3A : memref<!tpu.dma_semaphore, #tpu.memory_space<semaphore_mem>>)
      tpu.wait_dma2 semaphore(%run_scoped3A : memref<!tpu.dma_semaphore, #tpu.memory_space<semaphore_mem>>) src(%arg4 : memref<17xi32, #tpu.memory_space<hbm>>) dst(%arg9 : memref<17xi32, #tpu.memory_space<vmem>>)
      tpu.yield
    }) : () -> ()
    %broadcast_in_dim3A = vector.broadcast %arg1 : i32 to vector<16xi32>
    %gather3A = tpu.vector_load_idx %arg9[%broadcast_in_dim3A] : memref<17xi32, #tpu.memory_space<vmem>>[vector<16xi32>], vector<16xi32>,
    %add3A = arith.constant 1 : i32
    %add3A_0 = vector.broadcast %add3A : i32 to vector<16xi32>
    %add3A_1 = arith.addi %broadcast_in_dim3A, %add3A_0 : vector<16xi32>
    %gather3A_2 = tpu.vector_load_idx %arg9[%add3A_1] : memref<17xi32, #tpu.memory_space<vmem>>[vector<16xi32>], vector<16xi32>,
    %sub3A = arith.subi %gather3A_2, %gather3A : vector<16xi32>
    %and3A = arith.constant -16 : i32
    %and3A_3 = vector.broadcast %and3A : i32 to vector<16xi32>
    %and3A_4 = arith.andi %gather3A, %and3A_3 : vector<16xi32>
    %min3A = arith.constant 14320 : i32
    %min3A_5 = vector.broadcast %min3A : i32 to vector<16xi32>
    %min3A_6 = arith.minsi %and3A_4, %min3A_5 : vector<16xi32>
    %sub3A_7 = arith.subi %gather3A, %min3A_6 : vector<16xi32>
    %slice3A = vector.extract_strided_slice %min3A_6 {offsets = [0], sizes = [1], strides = [1]} : vector<16xi32> to vector<1xi32>
    %squeeze3A = vector.extract %slice3A[0] : i32 from vector<1xi32>
    %multiple_of3A = tpu.assume_multiple %squeeze3A, 16 : i32
    %eq3A = arith.constant 0 : i32
    %eq3A_8 = arith.cmpi eq, %arg0, %eq3A : i32
    %convert_element_type3A = arith.extui %eq3A_8 : i1 to i32
    %cond3A = arith.constant 0 : i32
    %cond3A_9 = arith.cmpi ne, %convert_element_type3A, %cond3A : i32
    scf.if %cond3A_9 {
      "tpu.region"() ({
        %run_scoped3A = tpu.sem_alloc : memref<!tpu.dma_semaphore, #tpu.memory_space<semaphore_mem>>
        %dma_start3A = tpu.memref_slice %arg2[%multiple_of3A] : memref<16384xi32, #tpu.memory_space<hbm>> -> memref<2064xi32, #tpu.memory_space<hbm>>
        %dma_start3A_28 = tpu.memref_slice %arg2[%multiple_of3A] : memref<16384xi32, #tpu.memory_space<hbm>> -> memref<2064xi32, #tpu.memory_space<hbm>>
        tpu.enqueue_dma source(%dma_start3A_28 : memref<2064xi32, #tpu.memory_space<hbm>>) target(%arg10 : memref<2064xi32, #tpu.memory_space<vmem>>) target_semaphore(%run_scoped3A : memref<!tpu.dma_semaphore, #tpu.memory_space<semaphore_mem>>)
        %dma_wait3A = tpu.memref_slice %arg2[%multiple_of3A] : memref<16384xi32, #tpu.memory_space<hbm>> -> memref<2064xi32, #tpu.memory_space<hbm>>
        %dma_wait3A_29 = tpu.memref_slice %arg2[%multiple_of3A] : memref<16384xi32, #tpu.memory_space<hbm>> -> memref<2064xi32, #tpu.memory_space<hbm>>
        tpu.wait_dma2 semaphore(%run_scoped3A : memref<!tpu.dma_semaphore, #tpu.memory_space<semaphore_mem>>) src(%dma_wait3A_29 : memref<2064xi32, #tpu.memory_space<hbm>>) dst(%arg10 : memref<2064xi32, #tpu.memory_space<vmem>>)
        tpu.yield
      }) : () -> ()
      %iota3A = tpu.iota {dimensions = array<i32: 0>} : vector<16xi32>
      %broadcast_in_dim3A_20 = arith.constant 0 : i32
      %broadcast_in_dim3A_21 = vector.broadcast %broadcast_in_dim3A_20 : i32 to vector<16xi32>
      %scan3A = arith.constant 0 : i32
      %scan3A_22 = arith.constant 0 : i32
      %scan3A_23 = arith.constant 16 : i32
      %scan3A_24 = arith.addi %scan3A_22, %scan3A_23 : i32
      %scan3A_25 = arith.constant 1 : i32
      %scan3A_26 = scf.for %scan3A_28 = %scan3A_22 to %scan3A_24 step %scan3A_25 iter_args(%scan3A_29 = %scan3A) -> (i32)  : i32 {
        %mul3A = arith.constant 128 : i32
        %mul3A_30 = arith.muli %scan3A_28, %mul3A : i32
        %add3A_31 = arith.constant 0 : i32
        %add3A_32 = arith.addi %mul3A_30, %add3A_31 : i32
        %add3A_33 = vector.broadcast %add3A_32 : i32 to vector<16xi32>
        %add3A_34 = arith.addi %iota3A, %add3A_33 : vector<16xi32>
        %lt3A = arith.cmpi slt, %add3A_34, %sub3A : vector<16xi32>
        %add3A_35 = arith.addi %add3A_34, %sub3A_7 : vector<16xi32>
        %gather3A_36 = tpu.vector_load_idx %arg10[%add3A_35] masked %lt3A : memref<2064xi32, #tpu.memory_space<vmem>>[vector<16xi32>], vector<16xi32>, vector<16xi1>
        %add3A_37 = arith.constant 0 : i32
        %add3A_38 = arith.addi %mul3A_30, %add3A_37 : i32
        %multiple_of3A_39 = tpu.assume_multiple %add3A_38, 16 : i32
        %select_n3A = arith.select %lt3A, %gather3A_36, %broadcast_in_dim3A_21 : vector<16xi1>, vector<16xi32>
        %swap3A = arith.index_cast %multiple_of3A_39 : i32 to index
        %swap3A_40 = tpu.vector_load %arg12[%swap3A] {strides = array<i32>} : memref<2048xi32, #tpu.memory_space<vmem>>, vector<16xi32>,
        tpu.vector_store %arg12[%swap3A], %select_n3A {strides = array<i32>} : memref<2048xi32, #tpu.memory_space<vmem>>, vector<16xi32>,
        %add3A_41 = arith.constant 16 : i32
        %add3A_42 = arith.addi %mul3A_30, %add3A_41 : i32
        %add3A_43 = vector.broadcast %add3A_42 : i32 to vector<16xi32>
        %add3A_44 = arith.addi %iota3A, %add3A_43 : vector<16xi32>
        %lt3A_45 = arith.cmpi slt, %add3A_44, %sub3A : vector<16xi32>
        %add3A_46 = arith.addi %add3A_44, %sub3A_7 : vector<16xi32>
        %gather3A_47 = tpu.vector_load_idx %arg10[%add3A_46] masked %lt3A_45 : memref<2064xi32, #tpu.memory_space<vmem>>[vector<16xi32>], vector<16xi32>, vector<16xi1>
        %add3A_48 = arith.constant 16 : i32
        %add3A_49 = arith.addi %mul3A_30, %add3A_48 : i32
        %multiple_of3A_50 = tpu.assume_multiple %add3A_49, 16 : i32
        %select_n3A_51 = arith.select %lt3A_45, %gather3A_47, %broadcast_in_dim3A_21 : vector<16xi1>, vector<16xi32>
        %swap3A_52 = arith.index_cast %multiple_of3A_50 : i32 to index
        %swap3A_53 = tpu.vector_load %arg12[%swap3A_52] {strides = array<i32>} : memref<2048xi32, #tpu.memory_space<vmem>>, vector<16xi32>,
        tpu.vector_store %arg12[%swap3A_52], %select_n3A_51 {strides = array<i32>} : memref<2048xi32, #tpu.memory_space<vmem>>, vector<16xi32>,
        %add3A_54 = arith.constant 32 : i32
        %add3A_55 = arith.addi %mul3A_30, %add3A_54 : i32
        %add3A_56 = vector.broadcast %add3A_55 : i32 to vector<16xi32>
        %add3A_57 = arith.addi %iota3A, %add3A_56 : vector<16xi32>
        %lt3A_58 = arith.cmpi slt, %add3A_57, %sub3A : vector<16xi32>
        %add3A_59 = arith.addi %add3A_57, %sub3A_7 : vector<16xi32>
        %gather3A_60 = tpu.vector_load_idx %arg10[%add3A_59] masked %lt3A_58 : memref<2064xi32, #tpu.memory_space<vmem>>[vector<16xi32>], vector<16xi32>, vector<16xi1>
        %add3A_61 = arith.constant 32 : i32
        %add3A_62 = arith.addi %mul3A_30, %add3A_61 : i32
        %multiple_of3A_63 = tpu.assume_multiple %add3A_62, 16 : i32
        %select_n3A_64 = arith.select %lt3A_58, %gather3A_60, %broadcast_in_dim3A_21 : vector<16xi1>, vector<16xi32>
        %swap3A_65 = arith.index_cast %multiple_of3A_63 : i32 to index
        %swap3A_66 = tpu.vector_load %arg12[%swap3A_65] {strides = array<i32>} : memref<2048xi32, #tpu.memory_space<vmem>>, vector<16xi32>,
        tpu.vector_store %arg12[%swap3A_65], %select_n3A_64 {strides = array<i32>} : memref<2048xi32, #tpu.memory_space<vmem>>, vector<16xi32>,
        %add3A_67 = arith.constant 48 : i32
        %add3A_68 = arith.addi %mul3A_30, %add3A_67 : i32
        %add3A_69 = vector.broadcast %add3A_68 : i32 to vector<16xi32>
        %add3A_70 = arith.addi %iota3A, %add3A_69 : vector<16xi32>
        %lt3A_71 = arith.cmpi slt, %add3A_70, %sub3A : vector<16xi32>
        %add3A_72 = arith.addi %add3A_70, %sub3A_7 : vector<16xi32>
        %gather3A_73 = tpu.vector_load_idx %arg10[%add3A_72] masked %lt3A_71 : memref<2064xi32, #tpu.memory_space<vmem>>[vector<16xi32>], vector<16xi32>, vector<16xi1>
        %add3A_74 = arith.constant 48 : i32
        %add3A_75 = arith.addi %mul3A_30, %add3A_74 : i32
        %multiple_of3A_76 = tpu.assume_multiple %add3A_75, 16 : i32
        %select_n3A_77 = arith.select %lt3A_71, %gather3A_73, %broadcast_in_dim3A_21 : vector<16xi1>, vector<16xi32>
        %swap3A_78 = arith.index_cast %multiple_of3A_76 : i32 to index
        %swap3A_79 = tpu.vector_load %arg12[%swap3A_78] {strides = array<i32>} : memref<2048xi32, #tpu.memory_space<vmem>>, vector<16xi32>,
        tpu.vector_store %arg12[%swap3A_78], %select_n3A_77 {strides = array<i32>} : memref<2048xi32, #tpu.memory_space<vmem>>, vector<16xi32>,
        %add3A_80 = arith.constant 64 : i32
        %add3A_81 = arith.addi %mul3A_30, %add3A_80 : i32
        %add3A_82 = vector.broadcast %add3A_81 : i32 to vector<16xi32>
        %add3A_83 = arith.addi %iota3A, %add3A_82 : vector<16xi32>
        %lt3A_84 = arith.cmpi slt, %add3A_83, %sub3A : vector<16xi32>
        %add3A_85 = arith.addi %add3A_83, %sub3A_7 : vector<16xi32>
        %gather3A_86 = tpu.vector_load_idx %arg10[%add3A_85] masked %lt3A_84 : memref<2064xi32, #tpu.memory_space<vmem>>[vector<16xi32>], vector<16xi32>, vector<16xi1>
        %add3A_87 = arith.constant 64 : i32
        %add3A_88 = arith.addi %mul3A_30, %add3A_87 : i32
        %multiple_of3A_89 = tpu.assume_multiple %add3A_88, 16 : i32
        %select_n3A_90 = arith.select %lt3A_84, %gather3A_86, %broadcast_in_dim3A_21 : vector<16xi1>, vector<16xi32>
        %swap3A_91 = arith.index_cast %multiple_of3A_89 : i32 to index
        %swap3A_92 = tpu.vector_load %arg12[%swap3A_91] {strides = array<i32>} : memref<2048xi32, #tpu.memory_space<vmem>>, vector<16xi32>,
        tpu.vector_store %arg12[%swap3A_91], %select_n3A_90 {strides = array<i32>} : memref<2048xi32, #tpu.memory_space<vmem>>, vector<16xi32>,
        %add3A_93 = arith.constant 80 : i32
        %add3A_94 = arith.addi %mul3A_30, %add3A_93 : i32
        %add3A_95 = vector.broadcast %add3A_94 : i32 to vector<16xi32>
        %add3A_96 = arith.addi %iota3A, %add3A_95 : vector<16xi32>
        %lt3A_97 = arith.cmpi slt, %add3A_96, %sub3A : vector<16xi32>
        %add3A_98 = arith.addi %add3A_96, %sub3A_7 : vector<16xi32>
        %gather3A_99 = tpu.vector_load_idx %arg10[%add3A_98] masked %lt3A_97 : memref<2064xi32, #tpu.memory_space<vmem>>[vector<16xi32>], vector<16xi32>, vector<16xi1>
        %add3A_100 = arith.constant 80 : i32
        %add3A_101 = arith.addi %mul3A_30, %add3A_100 : i32
        %multiple_of3A_102 = tpu.assume_multiple %add3A_101, 16 : i32
        %select_n3A_103 = arith.select %lt3A_97, %gather3A_99, %broadcast_in_dim3A_21 : vector<16xi1>, vector<16xi32>
        %swap3A_104 = arith.index_cast %multiple_of3A_102 : i32 to index
        %swap3A_105 = tpu.vector_load %arg12[%swap3A_104] {strides = array<i32>} : memref<2048xi32, #tpu.memory_space<vmem>>, vector<16xi32>,
        tpu.vector_store %arg12[%swap3A_104], %select_n3A_103 {strides = array<i32>} : memref<2048xi32, #tpu.memory_space<vmem>>, vector<16xi32>,
        %add3A_106 = arith.constant 96 : i32
        %add3A_107 = arith.addi %mul3A_30, %add3A_106 : i32
        %add3A_108 = vector.broadcast %add3A_107 : i32 to vector<16xi32>
        %add3A_109 = arith.addi %iota3A, %add3A_108 : vector<16xi32>
        %lt3A_110 = arith.cmpi slt, %add3A_109, %sub3A : vector<16xi32>
        %add3A_111 = arith.addi %add3A_109, %sub3A_7 : vector<16xi32>
        %gather3A_112 = tpu.vector_load_idx %arg10[%add3A_111] masked %lt3A_110 : memref<2064xi32, #tpu.memory_space<vmem>>[vector<16xi32>], vector<16xi32>, vector<16xi1>
        %add3A_113 = arith.constant 96 : i32
        %add3A_114 = arith.addi %mul3A_30, %add3A_113 : i32
        %multiple_of3A_115 = tpu.assume_multiple %add3A_114, 16 : i32
        %select_n3A_116 = arith.select %lt3A_110, %gather3A_112, %broadcast_in_dim3A_21 : vector<16xi1>, vector<16xi32>
        %swap3A_117 = arith.index_cast %multiple_of3A_115 : i32 to index
        %swap3A_118 = tpu.vector_load %arg12[%swap3A_117] {strides = array<i32>} : memref<2048xi32, #tpu.memory_space<vmem>>, vector<16xi32>,
        tpu.vector_store %arg12[%swap3A_117], %select_n3A_116 {strides = array<i32>} : memref<2048xi32, #tpu.memory_space<vmem>>, vector<16xi32>,
        %add3A_119 = arith.constant 112 : i32
        %add3A_120 = arith.addi %mul3A_30, %add3A_119 : i32
        %add3A_121 = vector.broadcast %add3A_120 : i32 to vector<16xi32>
        %add3A_122 = arith.addi %iota3A, %add3A_121 : vector<16xi32>
        %lt3A_123 = arith.cmpi slt, %add3A_122, %sub3A : vector<16xi32>
        %add3A_124 = arith.addi %add3A_122, %sub3A_7 : vector<16xi32>
        %gather3A_125 = tpu.vector_load_idx %arg10[%add3A_124] masked %lt3A_123 : memref<2064xi32, #tpu.memory_space<vmem>>[vector<16xi32>], vector<16xi32>, vector<16xi1>
        %add3A_126 = arith.constant 112 : i32
        %add3A_127 = arith.addi %mul3A_30, %add3A_126 : i32
        %multiple_of3A_128 = tpu.assume_multiple %add3A_127, 16 : i32
        %select_n3A_129 = arith.select %lt3A_123, %gather3A_125, %broadcast_in_dim3A_21 : vector<16xi1>, vector<16xi32>
        %swap3A_130 = arith.index_cast %multiple_of3A_128 : i32 to index
        %swap3A_131 = tpu.vector_load %arg12[%swap3A_130] {strides = array<i32>} : memref<2048xi32, #tpu.memory_space<vmem>>, vector<16xi32>,
        tpu.vector_store %arg12[%swap3A_130], %select_n3A_129 {strides = array<i32>} : memref<2048xi32, #tpu.memory_space<vmem>>, vector<16xi32>,
        %scan3A_132 = arith.constant 0 : i32
        scf.yield %scan3A_132 : i32
      }
      %scan3A_27 = arith.constant 16 : i32
      "tpu.region"() ({
        %run_scoped3A = tpu.sem_alloc : memref<!tpu.dma_semaphore, #tpu.memory_space<semaphore_mem>>
        %dma_start3A = arith.constant 0 : i32
        %dma_start3A_28 = tpu.memref_slice %arg5[%arg1, %dma_start3A] : memref<16x2048xi32, #tpu.memory_space<hbm>> -> memref<1x2048xi32, #tpu.memory_space<hbm>>
        %dma_start3A_29 = tpu.memref_squeeze %dma_start3A_28 : memref<1x2048xi32, #tpu.memory_space<hbm>> -> memref<2048xi32, #tpu.memory_space<hbm>>
        %dma_start3A_30 = arith.constant 0 : i32
        %dma_start3A_31 = tpu.memref_slice %arg5[%arg1, %dma_start3A_30] : memref<16x2048xi32, #tpu.memory_space<hbm>> -> memref<1x2048xi32, #tpu.memory_space<hbm>>
        %dma_start3A_32 = tpu.memref_squeeze %dma_start3A_31 : memref<1x2048xi32, #tpu.memory_space<hbm>> -> memref<2048xi32, #tpu.memory_space<hbm>>
        tpu.enqueue_dma source(%arg12 : memref<2048xi32, #tpu.memory_space<vmem>>) target(%dma_start3A_32 : memref<2048xi32, #tpu.memory_space<hbm>>) target_semaphore(%run_scoped3A : memref<!tpu.dma_semaphore, #tpu.memory_space<semaphore_mem>>)
        %dma_wait3A = arith.constant 0 : i32
        %dma_wait3A_33 = tpu.memref_slice %arg5[%arg1, %dma_wait3A] : memref<16x2048xi32, #tpu.memory_space<hbm>> -> memref<1x2048xi32, #tpu.memory_space<hbm>>
        %dma_wait3A_34 = tpu.memref_squeeze %dma_wait3A_33 : memref<1x2048xi32, #tpu.memory_space<hbm>> -> memref<2048xi32, #tpu.memory_space<hbm>>
        %dma_wait3A_35 = arith.constant 0 : i32
        %dma_wait3A_36 = tpu.memref_slice %arg5[%arg1, %dma_wait3A_35] : memref<16x2048xi32, #tpu.memory_space<hbm>> -> memref<1x2048xi32, #tpu.memory_space<hbm>>
        %dma_wait3A_37 = tpu.memref_squeeze %dma_wait3A_36 : memref<1x2048xi32, #tpu.memory_space<hbm>> -> memref<2048xi32, #tpu.memory_space<hbm>>
        tpu.wait_dma2 semaphore(%run_scoped3A : memref<!tpu.dma_semaphore, #tpu.memory_space<semaphore_mem>>) src(%arg12 : memref<2048xi32, #tpu.memory_space<vmem>>) dst(%dma_wait3A_37 : memref<2048xi32, #tpu.memory_space<hbm>>)
        tpu.yield
      }) : () -> ()
    } else {
    }
    %eq3A_10 = arith.constant 1 : i32
    %eq3A_11 = arith.cmpi eq, %arg0, %eq3A_10 : i32
    %convert_element_type3A_12 = arith.extui %eq3A_11 : i1 to i32
    %cond3A_13 = arith.constant 0 : i32
    %cond3A_14 = arith.cmpi ne, %convert_element_type3A_12, %cond3A_13 : i32
    scf.if %cond3A_14 {
      "tpu.region"() ({
        %run_scoped3A = tpu.sem_alloc : memref<!tpu.dma_semaphore, #tpu.memory_space<semaphore_mem>>
        %dma_start3A = tpu.memref_slice %arg3[%multiple_of3A] : memref<16384xf32, #tpu.memory_space<hbm>> -> memref<2064xf32, #tpu.memory_space<hbm>>
        %dma_start3A_28 = tpu.memref_slice %arg3[%multiple_of3A] : memref<16384xf32, #tpu.memory_space<hbm>> -> memref<2064xf32, #tpu.memory_space<hbm>>
        tpu.enqueue_dma source(%dma_start3A_28 : memref<2064xf32, #tpu.memory_space<hbm>>) target(%arg11 : memref<2064xf32, #tpu.memory_space<vmem>>) target_semaphore(%run_scoped3A : memref<!tpu.dma_semaphore, #tpu.memory_space<semaphore_mem>>)
        %dma_wait3A = tpu.memref_slice %arg3[%multiple_of3A] : memref<16384xf32, #tpu.memory_space<hbm>> -> memref<2064xf32, #tpu.memory_space<hbm>>
        %dma_wait3A_29 = tpu.memref_slice %arg3[%multiple_of3A] : memref<16384xf32, #tpu.memory_space<hbm>> -> memref<2064xf32, #tpu.memory_space<hbm>>
        tpu.wait_dma2 semaphore(%run_scoped3A : memref<!tpu.dma_semaphore, #tpu.memory_space<semaphore_mem>>) src(%dma_wait3A_29 : memref<2064xf32, #tpu.memory_space<hbm>>) dst(%arg11 : memref<2064xf32, #tpu.memory_space<vmem>>)
        tpu.yield
      }) : () -> ()
      %iota3A = tpu.iota {dimensions = array<i32: 0>} : vector<16xi32>
      %broadcast_in_dim3A_20 = arith.constant 0.000000e+00 : f32
      %broadcast_in_dim3A_21 = vector.broadcast %broadcast_in_dim3A_20 : f32 to vector<16xf32>
      %scan3A = arith.constant 0 : i32
      %scan3A_22 = arith.constant 0 : i32
      %scan3A_23 = arith.constant 16 : i32
      %scan3A_24 = arith.addi %scan3A_22, %scan3A_23 : i32
      %scan3A_25 = arith.constant 1 : i32
      %scan3A_26 = scf.for %scan3A_28 = %scan3A_22 to %scan3A_24 step %scan3A_25 iter_args(%scan3A_29 = %scan3A) -> (i32)  : i32 {
        %mul3A = arith.constant 128 : i32
        %mul3A_30 = arith.muli %scan3A_28, %mul3A : i32
        %add3A_31 = arith.constant 0 : i32
        %add3A_32 = arith.addi %mul3A_30, %add3A_31 : i32
        %add3A_33 = vector.broadcast %add3A_32 : i32 to vector<16xi32>
        %add3A_34 = arith.addi %iota3A, %add3A_33 : vector<16xi32>
        %lt3A = arith.cmpi slt, %add3A_34, %sub3A : vector<16xi32>
        %add3A_35 = arith.addi %add3A_34, %sub3A_7 : vector<16xi32>
        %gather3A_36 = tpu.vector_load_idx %arg11[%add3A_35] masked %lt3A : memref<2064xf32, #tpu.memory_space<vmem>>[vector<16xi32>], vector<16xf32>, vector<16xi1>
        %add3A_37 = arith.constant 0 : i32
        %add3A_38 = arith.addi %mul3A_30, %add3A_37 : i32
        %multiple_of3A_39 = tpu.assume_multiple %add3A_38, 16 : i32
        %select_n3A = arith.select %lt3A, %gather3A_36, %broadcast_in_dim3A_21 : vector<16xi1>, vector<16xf32>
        %swap3A = arith.index_cast %multiple_of3A_39 : i32 to index
        %swap3A_40 = tpu.vector_load %arg13[%swap3A] {strides = array<i32>} : memref<2048xf32, #tpu.memory_space<vmem>>, vector<16xf32>,
        tpu.vector_store %arg13[%swap3A], %select_n3A {strides = array<i32>} : memref<2048xf32, #tpu.memory_space<vmem>>, vector<16xf32>,
        %add3A_41 = arith.constant 16 : i32
        %add3A_42 = arith.addi %mul3A_30, %add3A_41 : i32
        %add3A_43 = vector.broadcast %add3A_42 : i32 to vector<16xi32>
        %add3A_44 = arith.addi %iota3A, %add3A_43 : vector<16xi32>
        %lt3A_45 = arith.cmpi slt, %add3A_44, %sub3A : vector<16xi32>
        %add3A_46 = arith.addi %add3A_44, %sub3A_7 : vector<16xi32>
        %gather3A_47 = tpu.vector_load_idx %arg11[%add3A_46] masked %lt3A_45 : memref<2064xf32, #tpu.memory_space<vmem>>[vector<16xi32>], vector<16xf32>, vector<16xi1>
        %add3A_48 = arith.constant 16 : i32
        %add3A_49 = arith.addi %mul3A_30, %add3A_48 : i32
        %multiple_of3A_50 = tpu.assume_multiple %add3A_49, 16 : i32
        %select_n3A_51 = arith.select %lt3A_45, %gather3A_47, %broadcast_in_dim3A_21 : vector<16xi1>, vector<16xf32>
        %swap3A_52 = arith.index_cast %multiple_of3A_50 : i32 to index
        %swap3A_53 = tpu.vector_load %arg13[%swap3A_52] {strides = array<i32>} : memref<2048xf32, #tpu.memory_space<vmem>>, vector<16xf32>,
        tpu.vector_store %arg13[%swap3A_52], %select_n3A_51 {strides = array<i32>} : memref<2048xf32, #tpu.memory_space<vmem>>, vector<16xf32>,
        %add3A_54 = arith.constant 32 : i32
        %add3A_55 = arith.addi %mul3A_30, %add3A_54 : i32
        %add3A_56 = vector.broadcast %add3A_55 : i32 to vector<16xi32>
        %add3A_57 = arith.addi %iota3A, %add3A_56 : vector<16xi32>
        %lt3A_58 = arith.cmpi slt, %add3A_57, %sub3A : vector<16xi32>
        %add3A_59 = arith.addi %add3A_57, %sub3A_7 : vector<16xi32>
        %gather3A_60 = tpu.vector_load_idx %arg11[%add3A_59] masked %lt3A_58 : memref<2064xf32, #tpu.memory_space<vmem>>[vector<16xi32>], vector<16xf32>, vector<16xi1>
        %add3A_61 = arith.constant 32 : i32
        %add3A_62 = arith.addi %mul3A_30, %add3A_61 : i32
        %multiple_of3A_63 = tpu.assume_multiple %add3A_62, 16 : i32
        %select_n3A_64 = arith.select %lt3A_58, %gather3A_60, %broadcast_in_dim3A_21 : vector<16xi1>, vector<16xf32>
        %swap3A_65 = arith.index_cast %multiple_of3A_63 : i32 to index
        %swap3A_66 = tpu.vector_load %arg13[%swap3A_65] {strides = array<i32>} : memref<2048xf32, #tpu.memory_space<vmem>>, vector<16xf32>,
        tpu.vector_store %arg13[%swap3A_65], %select_n3A_64 {strides = array<i32>} : memref<2048xf32, #tpu.memory_space<vmem>>, vector<16xf32>,
        %add3A_67 = arith.constant 48 : i32
        %add3A_68 = arith.addi %mul3A_30, %add3A_67 : i32
        %add3A_69 = vector.broadcast %add3A_68 : i32 to vector<16xi32>
        %add3A_70 = arith.addi %iota3A, %add3A_69 : vector<16xi32>
        %lt3A_71 = arith.cmpi slt, %add3A_70, %sub3A : vector<16xi32>
        %add3A_72 = arith.addi %add3A_70, %sub3A_7 : vector<16xi32>
        %gather3A_73 = tpu.vector_load_idx %arg11[%add3A_72] masked %lt3A_71 : memref<2064xf32, #tpu.memory_space<vmem>>[vector<16xi32>], vector<16xf32>, vector<16xi1>
        %add3A_74 = arith.constant 48 : i32
        %add3A_75 = arith.addi %mul3A_30, %add3A_74 : i32
        %multiple_of3A_76 = tpu.assume_multiple %add3A_75, 16 : i32
        %select_n3A_77 = arith.select %lt3A_71, %gather3A_73, %broadcast_in_dim3A_21 : vector<16xi1>, vector<16xf32>
        %swap3A_78 = arith.index_cast %multiple_of3A_76 : i32 to index
        %swap3A_79 = tpu.vector_load %arg13[%swap3A_78] {strides = array<i32>} : memref<2048xf32, #tpu.memory_space<vmem>>, vector<16xf32>,
        tpu.vector_store %arg13[%swap3A_78], %select_n3A_77 {strides = array<i32>} : memref<2048xf32, #tpu.memory_space<vmem>>, vector<16xf32>,
        %add3A_80 = arith.constant 64 : i32
        %add3A_81 = arith.addi %mul3A_30, %add3A_80 : i32
        %add3A_82 = vector.broadcast %add3A_81 : i32 to vector<16xi32>
        %add3A_83 = arith.addi %iota3A, %add3A_82 : vector<16xi32>
        %lt3A_84 = arith.cmpi slt, %add3A_83, %sub3A : vector<16xi32>
        %add3A_85 = arith.addi %add3A_83, %sub3A_7 : vector<16xi32>
        %gather3A_86 = tpu.vector_load_idx %arg11[%add3A_85] masked %lt3A_84 : memref<2064xf32, #tpu.memory_space<vmem>>[vector<16xi32>], vector<16xf32>, vector<16xi1>
        %add3A_87 = arith.constant 64 : i32
        %add3A_88 = arith.addi %mul3A_30, %add3A_87 : i32
        %multiple_of3A_89 = tpu.assume_multiple %add3A_88, 16 : i32
        %select_n3A_90 = arith.select %lt3A_84, %gather3A_86, %broadcast_in_dim3A_21 : vector<16xi1>, vector<16xf32>
        %swap3A_91 = arith.index_cast %multiple_of3A_89 : i32 to index
        %swap3A_92 = tpu.vector_load %arg13[%swap3A_91] {strides = array<i32>} : memref<2048xf32, #tpu.memory_space<vmem>>, vector<16xf32>,
        tpu.vector_store %arg13[%swap3A_91], %select_n3A_90 {strides = array<i32>} : memref<2048xf32, #tpu.memory_space<vmem>>, vector<16xf32>,
        %add3A_93 = arith.constant 80 : i32
        %add3A_94 = arith.addi %mul3A_30, %add3A_93 : i32
        %add3A_95 = vector.broadcast %add3A_94 : i32 to vector<16xi32>
        %add3A_96 = arith.addi %iota3A, %add3A_95 : vector<16xi32>
        %lt3A_97 = arith.cmpi slt, %add3A_96, %sub3A : vector<16xi32>
        %add3A_98 = arith.addi %add3A_96, %sub3A_7 : vector<16xi32>
        %gather3A_99 = tpu.vector_load_idx %arg11[%add3A_98] masked %lt3A_97 : memref<2064xf32, #tpu.memory_space<vmem>>[vector<16xi32>], vector<16xf32>, vector<16xi1>
        %add3A_100 = arith.constant 80 : i32
        %add3A_101 = arith.addi %mul3A_30, %add3A_100 : i32
        %multiple_of3A_102 = tpu.assume_multiple %add3A_101, 16 : i32
        %select_n3A_103 = arith.select %lt3A_97, %gather3A_99, %broadcast_in_dim3A_21 : vector<16xi1>, vector<16xf32>
        %swap3A_104 = arith.index_cast %multiple_of3A_102 : i32 to index
        %swap3A_105 = tpu.vector_load %arg13[%swap3A_104] {strides = array<i32>} : memref<2048xf32, #tpu.memory_space<vmem>>, vector<16xf32>,
        tpu.vector_store %arg13[%swap3A_104], %select_n3A_103 {strides = array<i32>} : memref<2048xf32, #tpu.memory_space<vmem>>, vector<16xf32>,
        %add3A_106 = arith.constant 96 : i32
        %add3A_107 = arith.addi %mul3A_30, %add3A_106 : i32
        %add3A_108 = vector.broadcast %add3A_107 : i32 to vector<16xi32>
        %add3A_109 = arith.addi %iota3A, %add3A_108 : vector<16xi32>
        %lt3A_110 = arith.cmpi slt, %add3A_109, %sub3A : vector<16xi32>
        %add3A_111 = arith.addi %add3A_109, %sub3A_7 : vector<16xi32>
        %gather3A_112 = tpu.vector_load_idx %arg11[%add3A_111] masked %lt3A_110 : memref<2064xf32, #tpu.memory_space<vmem>>[vector<16xi32>], vector<16xf32>, vector<16xi1>
        %add3A_113 = arith.constant 96 : i32
        %add3A_114 = arith.addi %mul3A_30, %add3A_113 : i32
        %multiple_of3A_115 = tpu.assume_multiple %add3A_114, 16 : i32
        %select_n3A_116 = arith.select %lt3A_110, %gather3A_112, %broadcast_in_dim3A_21 : vector<16xi1>, vector<16xf32>
        %swap3A_117 = arith.index_cast %multiple_of3A_115 : i32 to index
        %swap3A_118 = tpu.vector_load %arg13[%swap3A_117] {strides = array<i32>} : memref<2048xf32, #tpu.memory_space<vmem>>, vector<16xf32>,
        tpu.vector_store %arg13[%swap3A_117], %select_n3A_116 {strides = array<i32>} : memref<2048xf32, #tpu.memory_space<vmem>>, vector<16xf32>,
        %add3A_119 = arith.constant 112 : i32
        %add3A_120 = arith.addi %mul3A_30, %add3A_119 : i32
        %add3A_121 = vector.broadcast %add3A_120 : i32 to vector<16xi32>
        %add3A_122 = arith.addi %iota3A, %add3A_121 : vector<16xi32>
        %lt3A_123 = arith.cmpi slt, %add3A_122, %sub3A : vector<16xi32>
        %add3A_124 = arith.addi %add3A_122, %sub3A_7 : vector<16xi32>
        %gather3A_125 = tpu.vector_load_idx %arg11[%add3A_124] masked %lt3A_123 : memref<2064xf32, #tpu.memory_space<vmem>>[vector<16xi32>], vector<16xf32>, vector<16xi1>
        %add3A_126 = arith.constant 112 : i32
        %add3A_127 = arith.addi %mul3A_30, %add3A_126 : i32
        %multiple_of3A_128 = tpu.assume_multiple %add3A_127, 16 : i32
        %select_n3A_129 = arith.select %lt3A_123, %gather3A_125, %broadcast_in_dim3A_21 : vector<16xi1>, vector<16xf32>
        %swap3A_130 = arith.index_cast %multiple_of3A_128 : i32 to index
        %swap3A_131 = tpu.vector_load %arg13[%swap3A_130] {strides = array<i32>} : memref<2048xf32, #tpu.memory_space<vmem>>, vector<16xf32>,
        tpu.vector_store %arg13[%swap3A_130], %select_n3A_129 {strides = array<i32>} : memref<2048xf32, #tpu.memory_space<vmem>>, vector<16xf32>,
        %scan3A_132 = arith.constant 0 : i32
        scf.yield %scan3A_132 : i32
      }
      %scan3A_27 = arith.constant 16 : i32
      "tpu.region"() ({
        %run_scoped3A = tpu.sem_alloc : memref<!tpu.dma_semaphore, #tpu.memory_space<semaphore_mem>>
        %dma_start3A = arith.constant 0 : i32
        %dma_start3A_28 = tpu.memref_slice %arg6[%arg1, %dma_start3A] : memref<16x2048xf32, #tpu.memory_space<hbm>> -> memref<1x2048xf32, #tpu.memory_space<hbm>>
        %dma_start3A_29 = tpu.memref_squeeze %dma_start3A_28 : memref<1x2048xf32, #tpu.memory_space<hbm>> -> memref<2048xf32, #tpu.memory_space<hbm>>
        %dma_start3A_30 = arith.constant 0 : i32
        %dma_start3A_31 = tpu.memref_slice %arg6[%arg1, %dma_start3A_30] : memref<16x2048xf32, #tpu.memory_space<hbm>> -> memref<1x2048xf32, #tpu.memory_space<hbm>>
        %dma_start3A_32 = tpu.memref_squeeze %dma_start3A_31 : memref<1x2048xf32, #tpu.memory_space<hbm>> -> memref<2048xf32, #tpu.memory_space<hbm>>
        tpu.enqueue_dma source(%arg13 : memref<2048xf32, #tpu.memory_space<vmem>>) target(%dma_start3A_32 : memref<2048xf32, #tpu.memory_space<hbm>>) target_semaphore(%run_scoped3A : memref<!tpu.dma_semaphore, #tpu.memory_space<semaphore_mem>>)
        %dma_wait3A = arith.constant 0 : i32
        %dma_wait3A_33 = tpu.memref_slice %arg6[%arg1, %dma_wait3A] : memref<16x2048xf32, #tpu.memory_space<hbm>> -> memref<1x2048xf32, #tpu.memory_space<hbm>>
        %dma_wait3A_34 = tpu.memref_squeeze %dma_wait3A_33 : memref<1x2048xf32, #tpu.memory_space<hbm>> -> memref<2048xf32, #tpu.memory_space<hbm>>
        %dma_wait3A_35 = arith.constant 0 : i32
        %dma_wait3A_36 = tpu.memref_slice %arg6[%arg1, %dma_wait3A_35] : memref<16x2048xf32, #tpu.memory_space<hbm>> -> memref<1x2048xf32, #tpu.memory_space<hbm>>
        %dma_wait3A_37 = tpu.memref_squeeze %dma_wait3A_36 : memref<1x2048xf32, #tpu.memory_space<hbm>> -> memref<2048xf32, #tpu.memory_space<hbm>>
        tpu.wait_dma2 semaphore(%run_scoped3A : memref<!tpu.dma_semaphore, #tpu.memory_space<semaphore_mem>>) src(%arg13 : memref<2048xf32, #tpu.memory_space<vmem>>) dst(%dma_wait3A_37 : memref<2048xf32, #tpu.memory_space<hbm>>)
        tpu.yield
      }) : () -> ()
    } else {
    }
    %eq3A_15 = arith.constant 0 : i32
    %eq3A_16 = arith.cmpi eq, %arg1, %eq3A_15 : i32
    %convert_element_type3A_17 = arith.extui %eq3A_16 : i1 to i32
    %cond3A_18 = arith.constant 0 : i32
    %cond3A_19 = arith.cmpi ne, %convert_element_type3A_17, %cond3A_18 : i32
    scf.if %cond3A_19 {
      %iota3A = tpu.iota {dimensions = array<i32: 0>} : vector<16xi32>
      %gather3A_20 = tpu.vector_load_idx %arg9[%iota3A] : memref<17xi32, #tpu.memory_space<vmem>>[vector<16xi32>], vector<16xi32>,
      %add3A_21 = arith.constant 1 : i32
      %add3A_22 = vector.broadcast %add3A_21 : i32 to vector<16xi32>
      %add3A_23 = arith.addi %iota3A, %add3A_22 : vector<16xi32>
      %gather3A_24 = tpu.vector_load_idx %arg9[%add3A_23] : memref<17xi32, #tpu.memory_space<vmem>>[vector<16xi32>], vector<16xi32>,
      %sub3A_25 = arith.subi %gather3A_24, %gather3A_20 : vector<16xi32>
      %swap3A = arith.constant 0 : index
      %swap3A_26 = tpu.vector_load %arg14[%swap3A] {strides = array<i32>} : memref<16xi32, #tpu.memory_space<vmem>>, vector<16xi32>,
      tpu.vector_store %arg14[%swap3A], %sub3A_25 {strides = array<i32>} : memref<16xi32, #tpu.memory_space<vmem>>, vector<16xi32>,
      %eq3A_27 = arith.constant 0 : i32
      %eq3A_28 = arith.cmpi eq, %arg0, %eq3A_27 : i32
      %convert_element_type3A_29 = arith.extui %eq3A_28 : i1 to i32
      %cond3A_30 = arith.constant 0 : i32
      %cond3A_31 = arith.cmpi ne, %convert_element_type3A_29, %cond3A_30 : i32
      scf.if %cond3A_31 {
        "tpu.region"() ({
          %run_scoped3A = tpu.sem_alloc : memref<!tpu.dma_semaphore, #tpu.memory_space<semaphore_mem>>
          tpu.enqueue_dma source(%arg14 : memref<16xi32, #tpu.memory_space<vmem>>) target(%arg7 : memref<16xi32, #tpu.memory_space<hbm>>) target_semaphore(%run_scoped3A : memref<!tpu.dma_semaphore, #tpu.memory_space<semaphore_mem>>)
          tpu.wait_dma2 semaphore(%run_scoped3A : memref<!tpu.dma_semaphore, #tpu.memory_space<semaphore_mem>>) src(%arg14 : memref<16xi32, #tpu.memory_space<vmem>>) dst(%arg7 : memref<16xi32, #tpu.memory_space<hbm>>)
          tpu.yield
        }) : () -> ()
      } else {
      }
      %eq3A_32 = arith.constant 1 : i32
      %eq3A_33 = arith.cmpi eq, %arg0, %eq3A_32 : i32
      %convert_element_type3A_34 = arith.extui %eq3A_33 : i1 to i32
      %cond3A_35 = arith.constant 0 : i32
      %cond3A_36 = arith.cmpi ne, %convert_element_type3A_34, %cond3A_35 : i32
      scf.if %cond3A_36 {
        "tpu.region"() ({
          %run_scoped3A = tpu.sem_alloc : memref<!tpu.dma_semaphore, #tpu.memory_space<semaphore_mem>>
          tpu.enqueue_dma source(%arg14 : memref<16xi32, #tpu.memory_space<vmem>>) target(%arg8 : memref<16xi32, #tpu.memory_space<hbm>>) target_semaphore(%run_scoped3A : memref<!tpu.dma_semaphore, #tpu.memory_space<semaphore_mem>>)
          tpu.wait_dma2 semaphore(%run_scoped3A : memref<!tpu.dma_semaphore, #tpu.memory_space<semaphore_mem>>) src(%arg14 : memref<16xi32, #tpu.memory_space<vmem>>) dst(%arg8 : memref<16xi32, #tpu.memory_space<hbm>>)
          tpu.yield
        }) : () -> ()
      } else {
      }
    } else {
    }
    return
  }
}

</mosaic_0001>

<sc_bundles>
// kernel: tabular_padding_sc.3.cloned.1.call-start
scs
__scs_entry_jumppad:
0x0: {  	(pc) =	sbr.rel $0x88, $3  }
0x1: {  	(tag) =	ssettag $0x0;
	lr =	simm.s32 $0x1  }
0x2: {  	[smem:$0x3F9E] =	sst lr;
	_ =	strace $0xD0000000  }
0x3: {  	_ = 	snop  }
0x4: {  	_ = 	snop  }
0x5: {  	_ = 	snop  }
0x6: {  	_ = 	snop  }
0x7: {  	_ = 	snop  }
__scs_overlays_trampoline_lowered:
0x8: {  	[smem:$0x3FAD] =	sst s0  }
0x9: {  	[smem:$0x3FAE] =	sst s1  }
0xa: {  	[smem:$0x3FAF] =	sst s2  }
0xb: {  	[smem:$0x3FB0] =	sst s3  }
0xc: {  	[smem:$0x3FB1] =	sst s4  }
0xd: {  	[smem:$0x3FB2] =	sst s5  }
0xe: {  	[smem:$0x3FB3] =	sst s6  }
0xf: {  	[smem:$0x3FB4] =	sst s7  }
0x10: {  	[smem:$0x3FB5] =	sst s8  }
0x11: {  	[smem:$0x3FB6] =	sst s9;
	s0 =	simm.s32 @!p0 $0x0  }
0x12: {  	s1 =	sld [smem:$0x3F9C];
	s0 =	simm.s32 @p0 $0x1  }
0x13: {  	[smem:$0x3FB7] =	sst s0;
	s0 =	simm.s32 @!p1 $0x0  }
0x14: {  	s2 =	sld [smem:$0x3F9B];
	s0 =	simm.s32 @p1 $0x1  }
0x15: {  	[smem:$0x3FB8] =	sst s0;
	s0 =	simm.s32 @!p2 $0x0  }
0x16: {  	s3 =	sld [smem:$0x3FDB];
	s0 =	simm.s32 @p2 $0x1  }
0x17: {  	s4 =	simm.s32 $0x1BF5;
	[smem:$0x3FBA] =	sst s0  }
0x18: {  	s0 =	sld [smem:$0x3F9D];
	_ =	swait.ge [sflag:s4], $0x0  }
0x19: {  	s7 =	sld [smem:$0x3F9E]  }
0x1a: {  	s8 =	sadd.s32 $0xFFFFE003, lr  }
0x1b: {  	s9 =	sadd.s32 $0xFFFFFEF7, lr;
	s5 =	simm.s32 $0xFFFFFFFF;
	p2 =	slt.u32 s8, $0xFFFFF086  }
0x1c: {  	p1 =	slt.u32 s9, $0xF7A;
	s5 =	simm.s32 @!p2 $0x0  }
0x1d: {  	s5 =	simm.s32 @p1 $0x1;
	p0 =	seq.s32 s7, s2  }
0x1e: {  	s7 =	smul.u32 @!p0 $0xF7A, s2;
	p2 =	seq.s32 @!p0 s5, $0x0  }
0x1f: {  	s9 =	smul.u32 $0xF7A, s1;
	s8 =	simm.s32 @!p0 $0x1BF5;
	p2 =	por !p2, p0  }
0x20: {  	[sflag:s8] =	ssyncset.s32 @!p0 $0xFFFFF086;
	s6 =	sadd.s32 @!p0 s3, s7;
	s7 =	simm.s32 @!p0 $0x108  }
0x21: {  	s3 =	sadd.s32 s3, s9;
	s6 =	sadd.s32 @!p0 $0x88, s6;
	s7 =	simm.s32 @p2 $0x1082  }
0x22: {  	[simem:s7], [sflag:s8] =	dma.local @!p0 [hbm:s6], $0xF7A  }
0x23: {  	s9 =	sor.u32 $0xD0000000, s2;
	s6 =	simm.s32 $0x108;
	_ =	swait.ge @!p0 [sflag:s8], $0x0  }
0x24: {  	s3 =	sadd.s32 $0x88, s3;
	s6 =	simm.s32 @!p1 $0x1082;
	[sflag:s4] =	ssyncset.s32 $0xFFFFF086  }
0x25: {  	[simem:s6], [sflag:s4] =	dma.local [hbm:s3], $0xF7A  }
0x26: {  	[smem:$0x3F9E] =	sst s1;
	(tag) =	ssettag s2;
	_ =	strace s9  }
0x27: {  	s1 =	sld [smem:$0x3FAE]  }
0x28: {  	s2 =	sld [smem:$0x3FAF]  }
0x29: {  	s4 =	sld [smem:$0x3FB1]  }
0x2a: {  	p0 =	seq.s32 s5, $0x0;
	s5 =	sld [smem:$0x3FB2]  }
0x2b: {  	s6 =	sld [smem:$0x3FB3]  }
0x2c: {  	s7 =	sld [smem:$0x3FB4]  }
0x2d: {  	s3 =	simm.s32 $0x108;
	s8 =	sld [smem:$0x3FB5]  }
0x2e: {  	s3 =	simm.s32 @!p0 $0x1082;
	s9 =	sld [smem:$0x3FB6]  }
0x2f: {  	lr =	sadd.s32 s0, s3;
	s0 =	sld [smem:$0x3FAD]  }
0x30: {  	s3 =	sld [smem:$0x3FB0]  }
0x31: {  	[smem:$0x3FB9] =	sst s10  }
0x32: {  	s10 =	sld [smem:$0x3FB7];
	_ =	sdelay $0x3  }
0x33: {  	p0 =	seq.s32 s10, $0x1;
	s10 =	sld [smem:$0x3FB9];
	_ =	sdelay $0x3  }
0x34: {  	[smem:$0x3FB9] =	sst s10  }
0x35: {  	s10 =	sld [smem:$0x3FB8];
	_ =	sdelay $0x3  }
0x36: {  	p1 =	seq.s32 s10, $0x1;
	s10 =	sld [smem:$0x3FB9];
	_ =	sdelay $0x3  }
0x37: {  	[smem:$0x3FB9] =	sst s10  }
0x38: {  	s10 =	sld [smem:$0x3FBA]  }
0x39: {  	_ = 	snop;
	(pc) =	sbr.ind lr, $3  }
0x3a: {  	_ = 	snop  }
0x3b: {  	_ = 	snop  }
0x3c: {  	p2 =	seq.s32 s10, $0x1;
	s10 =	sld [smem:$0x3FB9]  }
0x3d: {  	_ =	shalt  }
0x3e: {  	_ =	shalt  }
0x3f: {  	_ =	shalt  }
0x40: {  	_ =	shalt  }
0x41: {  	_ =	shalt  }
0x42: {  	_ =	shalt  }
0x43: {  	_ =	shalt  }
0x44: {  	_ =	shalt  }
0x45: {  	_ =	shalt  }
0x46: {  	_ =	shalt  }
0x47: {  	_ =	shalt  }
0x48: {  	_ =	shalt  }
0x49: {  	_ =	shalt  }
0x4a: {  	_ =	shalt  }
0x4b: {  	_ =	shalt  }
0x4c: {  	_ =	shalt  }
0x4d: {  	_ =	shalt  }
0x4e: {  	_ =	shalt  }
0x4f: {  	_ =	shalt  }
0x50: {  	_ =	shalt  }
0x51: {  	_ =	shalt  }
0x52: {  	_ =	shalt  }
0x53: {  	_ =	shalt  }
0x54: {  	_ =	shalt  }
0x55: {  	_ =	shalt  }
0x56: {  	_ =	shalt  }
0x57: {  	_ =	shalt  }
0x58: {  	_ =	shalt  }
0x59: {  	_ =	shalt  }
0x5a: {  	_ =	shalt  }
0x5b: {  	_ =	shalt  }
0x5c: {  	_ =	shalt  }
0x5d: {  	_ =	shalt  }
0x5e: {  	_ =	shalt  }
0x5f: {  	_ =	shalt  }
0x60: {  	_ =	shalt  }
0x61: {  	_ =	shalt  }
0x62: {  	_ =	shalt  }
0x63: {  	_ =	shalt  }
0x64: {  	_ =	shalt  }
0x65: {  	_ =	shalt  }
0x66: {  	_ =	shalt  }
0x67: {  	_ =	shalt  }
0x68: {  	_ =	shalt  }
0x69: {  	_ =	shalt  }
0x6a: {  	_ =	shalt  }
0x6b: {  	_ =	shalt  }
0x6c: {  	_ =	shalt  }
0x6d: {  	_ =	shalt  }
0x6e: {  	_ =	shalt  }
0x6f: {  	_ =	shalt  }
0x70: {  	_ =	shalt  }
0x71: {  	_ =	shalt  }
0x72: {  	_ =	shalt  }
0x73: {  	_ =	shalt  }
0x74: {  	_ =	shalt  }
0x75: {  	_ =	shalt  }
0x76: {  	_ =	shalt  }
0x77: {  	_ =	shalt  }
0x78: {  	_ =	shalt  }
0x79: {  	_ =	shalt  }
0x7a: {  	_ =	shalt  }
0x7b: {  	_ =	shalt  }
0x7c: {  	_ =	shalt  }
0x7d: {  	_ =	shalt  }
0x7e: {  	_ =	shalt  }
0x7f: {  	_ =	shalt  }
0x80: {  	_ =	shalt  }
0x81: {  	_ =	shalt  }
0x82: {  	_ =	shalt  }
0x83: {  	_ =	shalt  }
0x84: {  	_ =	shalt  }
0x85: {  	_ =	shalt  }
0x86: {  	_ =	shalt  }
0x87: {  	_ =	shalt  }
.Lfunc_end0:
.L_simem_size_0:
called_computation_lowered:
.L_overlay_start_0:
0x88: {  	s2 =	sld [smem:$0x3FD9]  }
0x89: {  	s3 =	sld [smem:$0x3FFE];
	_ =	sdelay $0x1  }
0x8a: {  	s1 =	srdreg.scid  }
0x8b: {  	s0 =	sand.u32 $0x1, s1  }
0x8c: {  	s15 =	sshll.u32 s0, $0xA;
	s2 =	sadd.s32 s3, s2  }
0x8d: {  	s2 =	sadd.s32 s2, s15  }
0x8e: {  	[smem:$0x3FC5] =	sst s2  }
0x8f: {  	_ = 	snop  }
0x90: {  	s2 =	sld [smem:$0x3FD0]  }
0x91: {  	s16 =	sld [smem:$0x3FC9]  }
0x92: {  	s4 =	sld [smem:$0x3FC8]  }
0x93: {  	s6 =	simm.s32 $0xA;
	s7 =	simm.s32 $0x10;
	s5 =	sld [smem:$0x3FC7]  }
0x94: {  	[smem:s7], [sflag:s6] =	dma.local [hbm:s2], $0x1  }
0x95: {  	_ =	swait.eq [sflag:s6], $0x1  }
0x96: {  	s17 =	sld [smem:$0x10]  }
0x97: {  	s18 =	sld [smem:$0x11];
	[sflag:s6] =	ssyncset.done $0x0  }
0x98: {  	s8 =	sld [smem:$0x12];
	[sflag:s6] =	ssyncadd.s32 $0xFFFFFFFF  }
0x99: {  	s19 =	sld [smem:$0x13];
	(tm) =	ssettm $0x1  }
0x9a: {  	s9 =	sld [smem:$0x3FFB];
	_ =	sdelay $0x3  }
0x9b: {  	_ =	strace s9  }
0x9c: {  	s9 =	sld [smem:$0x3FFC];
	_ =	sdelay $0x3  }
0x9d: {  	_ =	strace s9  }
0x9e: {  	s9 =	sld [smem:$0x3FFD];
	_ =	sdelay $0x3  }
0x9f: {  	_ =	strace s9  }
0xa0: {  	_ =	strace $0x8FFFFFFF  }
0xa1: {  	s20 =	sld [smem:$0x3FDB];
	_ =	sdelay $0x1  }
0xa2: {  	s10 =	simm.s32 $_scs_section_size  }
0xa3: {  	s11 =	simm.s32 $_size__tile_overlayer_lowered;
	s12 =	simm.s32 $_tile_overlayer_lowered  }
0xa4: {  	s23 =	simm.s32 $0x1BFF;
	s22 =	sshll.u32 s12, $0x1;
	s9 =	sadd.s32 s10, s20  }
0xa5: {  	s13 =	simm.s32 $0x0;
	s21 =	sshll.u32 s11, $0x1;
	s11 =	sadd.s32 s22, s9  }
0xa6: {  	[timem:s13], [sflag:s23] =	dma.local [hbm:s11], s21  }
0xa7: {  	_ =	swait.ge [sflag:s23], s21  }
0xa8: {  	s10 =	ssub.s32 $0x0, s21;
	[sflag:s23] =	ssyncset.done $0x0  }
0xa9: {  	[sflag:s23] =	ssyncadd.s32 s10;
	_ =	sdelay $0x1  }
0xaa: {  	s24 =	simm.s32 $0x1B8B  }
0xab: {  	_ =	swait.ge [sflag:s24], $0x1  }
0xac: {  	[sflag:s24] =	ssyncset.done $0x0  }
0xad: {  	s25 =	simm.s32 $0x1B8E;
	[sflag:s24] =	ssyncadd.s32 $0xFFFFFFFF  }
0xae: {  	s26 =	simm.s32 $execute0_lowered;
	[smem:$0x3FD2] =	sst s25  }
0xaf: {  	s10 =	sshll.u32 s26, $0x1;
	_ =	strace $0x80000046;
	[dreg:$0x1] =	wrdreg $0xFFFFFFFF  }
0xb0: {  	s28 =	simm.s32 $_size_execute0_lowered;
	s9 =	sadd.s32 s9, s10;
	[dreg:$0x0] =	wrdreg $0x0  }
0xb1: {  	s10 =	sshll.u32 s28, $0x1;
	[dreg:$0x2] =	wrdreg s9  }
0xb2: {  	[dreg:$0x3] =	wrdreg s10  }
0xb3: {  	[dreg:$0x4] =	wrdreg $0xC0  }
0xb4: {  	_ =	task [dreg:s13], $0x5FFFF  }
0xb5: {  	[dreg:$0x1] =	wrdreg $0xFFFFFFFF  }
0xb6: {  	[dreg:$0x0] =	wrdreg $0x60  }
0xb7: {  	[dreg:$0x2] =	wrdreg s16  }
0xb8: {  	[dreg:$0x3] =	wrdreg s4  }
0xb9: {  	[dreg:$0x4] =	wrdreg s5  }
0xba: {  	[dreg:$0x5] =	wrdreg s17  }
0xbb: {  	[dreg:$0x6] =	wrdreg s18  }
0xbc: {  	[dreg:$0x7] =	wrdreg s8  }
0xbd: {  	[dreg:$0x8] =	wrdreg s19  }
0xbe: {  	[dreg:$0x9] =	wrdreg $0x9  }
0xbf: {  	_ =	task.clear_ibuf [dreg:s13], $0xAFFFF;
	_ =	strace $0x90000046  }
0xc0: {  	s29 =	simm.s32 $0x9;
	_ =	strace $0x80000048  }
0xc1: {  	_ =	swait.ge [sflag:s29], $0x1  }
0xc2: {  	[sflag:s29] =	ssyncadd.s32 $0xFFFFFFFF  }
0xc3: {  	_ =	strace $0x90000048  }
0xc4: {  	_ =	sfence  }
0xc5: {  	s30 =	sld [smem:$0x0];
	_ =	sdelay $0x2  }
0xc6: {  	s31 =	sshll.u32 s1, $0xD;
	s1 =	sshrl.u32 s1, $0x2  }
0xc7: {  	s3 =	sand.u32 $0x4000, s31;
	s1 =	sadd.s32 s1, s30  }
0xc8: {  	s0 =	sor.u32 s3, s0;
	s1 =	sshll.u32 s1, $0x11  }
0xc9: {  	s0 =	sor.u32 s1, s0  }
0xca: {  	s0 =	sadd.s32 $0x8F2B, s0  }
0xcb: {  	[sflag:s0] =	ssyncadd.remote.s32 $0x1  }
0xcc: {  	_ =	sfence.sel $0xFFFF  }
0xcd: {  	[dreg:$0x0] =	wrdreg $0xFFFFFFFF;
	(pc) =	sbr.abs _section_cstart, $3  }
0xce: {  	[dreg:$0x1] =	wrdreg $0xFFFFFFFF  }
0xcf: {  	_ =	task.clear_ibuf [dreg:s13], $0x2FFFF;
	_ =	strace $0x9FFFFFFF  }
0xd0: {  	(tm) =	ssettm $0x7FFFFFFF  }
0xd1: {  	_ =	shalt  }
tec
execute0_lowered:
.L_overlay_start_1:
0x0: {  	(tag) =	ssettag $0x1  }
0x1: {  	s0 =	rddreg [dreg:$0x0]  }
0x2: {  	s1 =	rddreg [dreg:$0x1]  }
0x3: {  	s3 =	rddreg [dreg:$0x2]  }
0x4: {  	s7 =	rddreg [dreg:$0x3]  }
0x5: {  	s8 =	rddreg [dreg:$0x4]  }
0x6: {  	s4 =	rddreg [dreg:$0x5]  }
0x7: {  	s5 =	rddreg [dreg:$0x6]  }
0x8: {  	s2 =	rddreg [dreg:$0x7]  }
0x9: {  	s6 =	simm.s32 $0x0;
	s9 =	srdreg.scid;
	s16 =	stileid.u32  }
0xa: {  	s14 =	simm.s32 $0x2180;
	s15 =	simm.s32 $0x900;
	s17 =	simm.s32 $0x0  }
0xb: {  	[smem:$0x7FF] =	sst s6;
	s10 =	sand.u32 $0x1, s9;
	s11 =	sshll.u32 s16, $0x4  }
0xc: {  	s13 =	sshll.u32 s16, $0x8;
	p1 =	seq.s32 s16, $0x0;
	p2 =	sne.s32 s16, $0x0  }
0xd: {  	v0 =	vmov s16;
	s16 =	simm.s32 $0x1980;
	_ =	strace $0x80000047;
	s9 =	ssub.s32 $0x2, s10  }
.Ltmp0:
0xe: {  	s11 =	sand.u32 $0x70, s11;
	s13 =	sand.u32 $0x800, s13;
	(pc) =	sbr.rel .LBB2_1-.Ltmp0, $4  }
0xf: {  	p0 =	sne.s32 s10, $0x0;
	s10 =	simm.s32 $0x1;
	s12 =	sshrl.u32 s9, $0x1  }
0x10: {  	s8 =	sadd.s32 s8, s11;
	s11 =	sadd.s32 s7, s11;
	s9 =	ssub.s32 s9, s12  }
0x11: {  	v1 =	vlaneseq.u32;
	s7 =	sadd.s32 s13, s8;
	s8 =	sadd.s32 s13, s11;
	s11 =	simm.s32 $0x80  }
0x12: {  	v3 =	vadd.s32 $0x1, v1;
	v2 =	vadd.s32 $0x1, v0;
	s12 =	simm.s32 $0x400;
	s13 =	simm.s32 $0x1180;
	s9 =	smax.u32 s9, $0x1  }
.LBB2_8:
0x13: {  	_ =	sdelay $0x3  }
0x14: {  	v4 =	vld.idx.msk [tilespmem:v1+s6+$0x0], $0xffff  }
0x15: {  	v5 =	vld.idx.msk [tilespmem:v3+s6+$0x0], $0xffff;
	_ =	sdelay $0x4  }
0x16: {  	v4 =	vsub.s32 v5, v4  }
0x17: {  	[tilespmem:$0x2180] =	vst v4  }
0x18: {  	[hbm4b:s18+s6] =	stream.linear.scatter [tilespmem:s14], [sflag:$0x1], $0x80, $0x38;
	[tilespmem:$0x2200] =	vst v63  }
0x19: {  	_ =	swait.ge [sflag:s10], $0x80  }
0x1a: {  	[sflag:s10] =	ssyncset.done $0x0  }
0x1b: {  	[sflag:s10] =	ssyncadd.s32 $0xFFFFFF80  }
.LBB2_9:
0x1c: {  	s17 =	sadd.s32 $0x1, s17  }
0x1d: {  	p3 =	sne.s32 s17, s9  }
.Ltmp1:
0x1e: {  	_ = 	snop;
	(pc) =	sbr.rel @!p3 .LBB2_10-.Ltmp1, $1  }
0x1f: {  	_ =	sdelay $0x3  }
.LBB2_1:
0x20: {  	[tilespmem:s6], [sflag:$0x1] =	stream.linear.gather [hbm4b:s3+s6], $0x80, $0x38;
	[tilespmem:$0x2200] =	vst v63  }
0x21: {  	_ =	swait.ge [sflag:s10], $0x80  }
0x22: {  	[sflag:s10] =	ssyncset.done $0x0  }
0x23: {  	[sflag:s10] =	ssyncadd.s32 $0xFFFFFF80  }
0x24: {  	v4 =	vld.idx.msk [tilespmem:v0+s6+$0x0], $0xffff;
	_ =	sdelay $0x4  }
0x25: {  	v5 =	vand.u32 $0xFFFFFFF0, v4  }
0x26: {  	vm0 =	vlt.s32 v5, $0x37F0  }
0x27: {  	v6 =	vnsel vm0, $0x37F0, v5  }
0x28: {  	(v2sf) =	vpush v6, $0x0;
	_ =	sdelay $0x9  }
0x29: {  	v5 =	vld.idx.msk [tilespmem:v2+s6+$0x0], $0xffff;
	_ =	sdelay $0x1  }
.Ltmp2:
0x2a: {  	_ = 	snop;
	(pc) =	sbr.rel @p0 .LBB2_5-.Ltmp2, $4  }
0x2b: {  	_ = 	snop  }
0x2c: {  	s19 =	simm.s32 $0x0  }
0x2d: {  	v5 =	vsub.s32 v5, v4;
	v4 =	vsub.s32 v4, v6;
	v6 =	vor.u32 s19, v1;
	s18 =	spop (v2sf)  }
0x2e: {  	vm0 =	vlt.s32 v6, v5;
	s18 =	sshrl.u32 s18, $0x3  }
0x2f: {  	s18 =	sadd.s32 s0, s18;
	v6 =	vadd.s32 v4, v6  }
0x30: {  	[tilespmem:s11], [sflag:$0x1] =	stream.linear.gather [hbm4b:s18+s6], $0x810, $0x38;
	[tilespmem:$0x2200] =	vst v63  }
0x31: {  	_ =	swait.ge [sflag:s10], $0x810  }
0x32: {  	[sflag:s10] =	ssyncset.done $0x0  }
0x33: {  	s25 =	simm.s32 $0x10;
	[sflag:s10] =	ssyncadd.s32 $0xFFFFF7F0  }
0x34: {  	v7 =	vor.u32 s25, v1;
	v6 =	vld.idx.msk [tilespmem:v6+s11+$0x0], vm0  }
0x35: {  	vm1 =	vlt.s32 v7, v5  }
0x36: {  	v7 =	vadd.s32 v4, v7;
	_ =	sdelay $0x2  }
0x37: {  	s18 =	simm.s32 $0x11C0;
	v6 =	vnsel vm0, $0x0, v6  }
0x38: {  	s19 =	simm.s32 $0x20;
	[tilespmem:s18+$0xFFFFFFC0] =	vst v6  }
0x39: {  	v6 =	vld.idx.msk [tilespmem:v7+s11+$0x0], vm1;
	v7 =	vor.u32 s19, v1  }
0x3a: {  	vm0 =	vlt.s32 v7, v5  }
0x3b: {  	v7 =	vadd.s32 v4, v7;
	_ =	sdelay $0x2  }
0x3c: {  	v6 =	vnsel vm1, $0x0, v6  }
0x3d: {  	s26 =	simm.s32 $0x30;
	[tilespmem:s18+$0xFFFFFFD0] =	vst v6  }
0x3e: {  	v6 =	vld.idx.msk [tilespmem:v7+s11+$0x0], vm0;
	v7 =	vor.u32 s26, v1  }
0x3f: {  	vm1 =	vlt.s32 v7, v5  }
0x40: {  	v7 =	vadd.s32 v4, v7;
	_ =	sdelay $0x2  }
0x41: {  	v6 =	vnsel vm0, $0x0, v6  }
0x42: {  	s28 =	simm.s32 $0x40;
	[tilespmem:s18+$0xFFFFFFE0] =	vst v6  }
0x43: {  	v6 =	vld.idx.msk [tilespmem:v7+s11+$0x0], vm1;
	v7 =	vor.u32 s28, v1  }
0x44: {  	vm0 =	vlt.s32 v7, v5  }
0x45: {  	v7 =	vadd.s32 v4, v7;
	_ =	sdelay $0x2  }
0x46: {  	v6 =	vnsel vm1, $0x0, v6  }
0x47: {  	s29 =	simm.s32 $0x50;
	[tilespmem:s18+$0xFFFFFFF0] =	vst v6  }
0x48: {  	v6 =	vld.idx.msk [tilespmem:v7+s11+$0x0], vm0;
	v7 =	vor.u32 s29, v1  }
0x49: {  	vm1 =	vlt.s32 v7, v5  }
0x4a: {  	v7 =	vadd.s32 v4, v7;
	_ =	sdelay $0x2  }
0x4b: {  	v6 =	vnsel vm0, $0x0, v6  }
0x4c: {  	s30 =	simm.s32 $0x60;
	[tilespmem:s18+$0x0] =	vst v6  }
0x4d: {  	v6 =	vld.idx.msk [tilespmem:v7+s11+$0x0], vm1;
	v7 =	vor.u32 s30, v1  }
0x4e: {  	vm2 =	vlt.s32 v7, v5  }
0x4f: {  	v7 =	vadd.s32 v4, v7;
	_ =	sdelay $0x2  }
0x50: {  	v6 =	vnsel vm1, $0x0, v6  }
0x51: {  	s31 =	simm.s32 $0x70;
	[tilespmem:s18+$0x10] =	vst v6  }
0x52: {  	v6 =	vld.idx.msk [tilespmem:v7+s11+$0x0], vm2;
	v7 =	vor.u32 s31, v1  }
0x53: {  	vm0 =	vlt.s32 v7, v5  }
0x54: {  	v7 =	vadd.s32 v4, v7;
	_ =	sdelay $0x2  }
0x55: {  	v6 =	vnsel vm2, $0x0, v6  }
0x56: {  	[tilespmem:s18+$0x20] =	vst v6  }
0x57: {  	s21 =	simm.s32 $0x80;
	s20 =	simm.s32 $0x170;
	s19 =	simm.s32 $0xF0;
	v6 =	vld.idx.msk [tilespmem:v7+s11+$0x0], vm0  }
.LBB2_3:
0x58: {  	p3 =	sne.s32 s20, $0x7F0;
	v7 =	vor.u32 s21, v1  }
0x59: {  	vm1 =	vlt.s32 v7, v5  }
0x5a: {  	v7 =	vadd.s32 v4, v7;
	_ =	sdelay $0x2  }
0x5b: {  	v6 =	vnsel vm0, $0x0, v6  }
0x5c: {  	[tilespmem:s18+$0x30] =	vst v6  }
0x5d: {  	s21 =	sadd.s32 $0xFFFFFFA0, s19;
	v6 =	vld.idx.msk [tilespmem:v7+s11+$0x0], vm1  }
0x5e: {  	v7 =	vor.u32 s21, v1  }
0x5f: {  	vm0 =	vlt.s32 v7, v5  }
0x60: {  	v7 =	vadd.s32 v4, v7;
	_ =	sdelay $0x2  }
0x61: {  	s18 =	sadd.s32 $0x80, s18;
	v6 =	vnsel vm1, $0x0, v6  }
0x62: {  	[tilespmem:s18+$0xFFFFFFC0] =	vst v6  }
0x63: {  	s21 =	sadd.s32 $0xFFFFFFB0, s19;
	v6 =	vld.idx.msk [tilespmem:v7+s11+$0x0], vm0  }
0x64: {  	v7 =	vor.u32 s21, v1  }
0x65: {  	vm1 =	vlt.s32 v7, v5  }
0x66: {  	v7 =	vadd.s32 v4, v7;
	_ =	sdelay $0x2  }
0x67: {  	v6 =	vnsel vm0, $0x0, v6  }
0x68: {  	[tilespmem:s18+$0xFFFFFFD0] =	vst v6  }
0x69: {  	s21 =	sadd.s32 $0xFFFFFFC0, s19;
	v6 =	vld.idx.msk [tilespmem:v7+s11+$0x0], vm1  }
0x6a: {  	v7 =	vor.u32 s21, v1  }
0x6b: {  	vm0 =	vlt.s32 v7, v5  }
0x6c: {  	v7 =	vadd.s32 v4, v7;
	_ =	sdelay $0x2  }
0x6d: {  	v6 =	vnsel vm1, $0x0, v6  }
0x6e: {  	[tilespmem:s18+$0xFFFFFFE0] =	vst v6  }
0x6f: {  	s21 =	sadd.s32 $0xFFFFFFD0, s19;
	v6 =	vld.idx.msk [tilespmem:v7+s11+$0x0], vm0  }
0x70: {  	v7 =	vor.u32 s21, v1  }
0x71: {  	vm1 =	vlt.s32 v7, v5  }
0x72: {  	v7 =	vadd.s32 v4, v7;
	_ =	sdelay $0x2  }
0x73: {  	v6 =	vnsel vm0, $0x0, v6  }
0x74: {  	[tilespmem:s18+$0xFFFFFFF0] =	vst v6  }
0x75: {  	s21 =	sadd.s32 $0xFFFFFFE0, s19;
	v6 =	vld.idx.msk [tilespmem:v7+s11+$0x0], vm1  }
0x76: {  	v7 =	vor.u32 s21, v1  }
0x77: {  	vm0 =	vlt.s32 v7, v5  }
0x78: {  	v7 =	vadd.s32 v4, v7;
	_ =	sdelay $0x2  }
0x79: {  	v6 =	vnsel vm1, $0x0, v6  }
0x7a: {  	[tilespmem:s18+$0x0] =	vst v6  }
0x7b: {  	s21 =	sadd.s32 $0xFFFFFFF0, s19;
	v6 =	vld.idx.msk [tilespmem:v7+s11+$0x0], vm0  }
0x7c: {  	v7 =	vor.u32 s21, v1  }
0x7d: {  	vm1 =	vlt.s32 v7, v5  }
0x7e: {  	v7 =	vadd.s32 v4, v7;
	_ =	sdelay $0x2  }
0x7f: {  	v6 =	vnsel vm0, $0x0, v6  }
0x80: {  	[tilespmem:s18+$0x10] =	vst v6  }
0x81: {  	v6 =	vld.idx.msk [tilespmem:v7+s11+$0x0], vm1  }
0x82: {  	v7 =	vor.u32 s19, v1;
	s19 =	smov.u32 s20  }
0x83: {  	vm0 =	vlt.s32 v7, v5  }
0x84: {  	v7 =	vadd.s32 v4, v7  }
.Ltmp3:
0x85: {  	(pc) =	sbr.rel @p3 .LBB2_3-.Ltmp3, $4  }
0x86: {  	_ = 	snop  }
0x87: {  	v6 =	vnsel vm1, $0x0, v6  }
0x88: {  	[tilespmem:s18+$0x20] =	vst v6  }
0x89: {  	s20 =	sadd.s32 $0x80, s20;
	s21 =	sadd.s32 $0xFFFFFF90, s19;
	v6 =	vld.idx.msk [tilespmem:v7+s11+$0x0], vm0  }
0x8a: {  	v7 =	vor.u32 s21, v1  }
0x8b: {  	vm1 =	vlt.s32 v7, v5  }
0x8c: {  	v7 =	vadd.s32 v4, v7;
	_ =	sdelay $0x2  }
0x8d: {  	v6 =	vnsel vm0, $0x0, v6  }
0x8e: {  	s20 =	sadd.s32 $0xFFFFFFA0, s19;
	[tilespmem:s18+$0x30] =	vst v6  }
0x8f: {  	v57 =	vor.u32 s20, v1;
	v6 =	vld.idx.msk [tilespmem:v7+s11+$0x0], vm1  }
0x90: {  	vm9 =	vlt.s32 v57, v5  }
0x91: {  	v7 =	vadd.s32 v4, v57;
	_ =	sdelay $0x2  }
0x92: {  	s25 =	sadd.s32 $0x80, s18;
	v6 =	vnsel vm1, $0x0, v6  }
0x93: {  	s26 =	sadd.s32 $0xFFFFFFB0, s19;
	[tilespmem:s25+$0xFFFFFFC0] =	vst v6  }
0x94: {  	v58 =	vor.u32 s26, v1;
	v6 =	vld.idx.msk [tilespmem:v7+s11+$0x0], vm9  }
0x95: {  	vm10 =	vlt.s32 v58, v5  }
0x96: {  	v7 =	vadd.s32 v4, v58;
	_ =	sdelay $0x2  }
0x97: {  	v6 =	vnsel vm9, $0x0, v6  }
0x98: {  	s28 =	sadd.s32 $0xFFFFFFC0, s19;
	[tilespmem:s25+$0xFFFFFFD0] =	vst v6  }
0x99: {  	v59 =	vor.u32 s28, v1;
	v6 =	vld.idx.msk [tilespmem:v7+s11+$0x0], vm10  }
0x9a: {  	vm11 =	vlt.s32 v59, v5  }
0x9b: {  	v7 =	vadd.s32 v4, v59;
	_ =	sdelay $0x2  }
0x9c: {  	v6 =	vnsel vm10, $0x0, v6  }
0x9d: {  	s29 =	sadd.s32 $0xFFFFFFD0, s19;
	[tilespmem:s25+$0xFFFFFFE0] =	vst v6  }
0x9e: {  	v60 =	vor.u32 s29, v1;
	v6 =	vld.idx.msk [tilespmem:v7+s11+$0x0], vm11  }
0x9f: {  	vm12 =	vlt.s32 v60, v5  }
0xa0: {  	v7 =	vadd.s32 v4, v60;
	_ =	sdelay $0x2  }
0xa1: {  	v6 =	vnsel vm11, $0x0, v6  }
0xa2: {  	s30 =	sadd.s32 $0xFFFFFFE0, s19;
	[tilespmem:s25+$0xFFFFFFF0] =	vst v6  }
0xa3: {  	v61 =	vor.u32 s30, v1;
	v6 =	vld.idx.msk [tilespmem:v7+s11+$0x0], vm12  }
0xa4: {  	vm13 =	vlt.s32 v61, v5  }
0xa5: {  	v7 =	vadd.s32 v4, v61;
	_ =	sdelay $0x2  }
0xa6: {  	v6 =	vnsel vm12, $0x0, v6  }
0xa7: {  	s31 =	sadd.s32 $0xFFFFFFF0, s19;
	[tilespmem:s25+$0x0] =	vst v6  }
0xa8: {  	v62 =	vor.u32 s31, v1;
	v6 =	vld.idx.msk [tilespmem:v7+s11+$0x0], vm13  }
0xa9: {  	vm14 =	vlt.s32 v62, v5  }
0xaa: {  	v7 =	vadd.s32 v4, v62;
	_ =	sdelay $0x2  }
0xab: {  	v6 =	vnsel vm13, $0x0, v6  }
0xac: {  	[tilespmem:s25+$0x10] =	vst v6  }
0xad: {  	v63 =	vor.u32 s19, v1;
	v6 =	vld.idx.msk [tilespmem:v7+s11+$0x0], vm14  }
0xae: {  	vm15 =	vlt.s32 v63, v5  }
0xaf: {  	v4 =	vadd.s32 v4, v63;
	_ =	sdelay $0x2  }
0xb0: {  	v5 =	vnsel vm14, $0x0, v6  }
0xb1: {  	[tilespmem:s25+$0x20] =	vst v5  }
0xb2: {  	v4 =	vld.idx.msk [tilespmem:v4+s11+$0x0], vm15;
	_ =	sdelay $0x4  }
0xb3: {  	v4 =	vnsel vm15, $0x0, v4  }
0xb4: {  	[tilespmem:s25+$0x30] =	vst v4  }
0xb5: {  	[hbm4b:s8+s11] =	stream.strided.scatter [tilespmem:s13], [sflag:$0x1], $0x800, s12, s11, $0x38;
	[tilespmem:$0x2200] =	vst v63  }
.Ltmp4:
0xb6: {  	_ = 	snop;
	(pc) =	sbr.rel @!p1 .LBB2_9-.Ltmp4, $4  }
.Ltmp5:
0xb7: {  	_ = 	snop;
	(pc) =	sbr.rel @p1 .LBB2_8-.Ltmp5, $4  }
0xb8: {  	_ =	swait.ge [sflag:s10], $0x800  }
0xb9: {  	[sflag:s10] =	ssyncset.done $0x0  }
0xba: {  	s18 =	smov.u32 s4;
	[sflag:s10] =	ssyncadd.s32 $0xFFFFF800  }
0xbb: {  	_ = 	snop  }
.LBB2_5:
0xbc: {  	s18 =	sadd.s32 s1, s18;
	v6 =	vadd.s32 v4, v6  }
0xbd: {  	[tilespmem:s15], [sflag:$0x1] =	stream.linear.gather [hbm4b:s18+s6], $0x810, $0x38;
	[tilespmem:$0x2200] =	vst v63  }
0xbe: {  	_ =	swait.ge [sflag:s10], $0x810  }
0xbf: {  	[sflag:s10] =	ssyncset.done $0x0  }
0xc0: {  	s25 =	simm.s32 $0x10;
	[sflag:s10] =	ssyncadd.s32 $0xFFFFF7F0  }
0xc1: {  	v7 =	vor.u32 s25, v1;
	v6 =	vld.idx.msk [tilespmem:v6+s15+$0x0], vm0  }
0xc2: {  	vm1 =	vlt.s32 v7, v5  }
0xc3: {  	v7 =	vadd.s32 v4, v7;
	_ =	sdelay $0x2  }
0xc4: {  	s18 =	simm.s32 $0x19C0;
	v6 =	vnsel vm0, $0x0, v6  }
0xc5: {  	s19 =	simm.s32 $0x20;
	[tilespmem:s18+$0xFFFFFFC0] =	vst v6  }
0xc6: {  	v6 =	vld.idx.msk [tilespmem:v7+s15+$0x0], vm1;
	v7 =	vor.u32 s19, v1  }
0xc7: {  	vm0 =	vlt.s32 v7, v5  }
0xc8: {  	v7 =	vadd.s32 v4, v7;
	_ =	sdelay $0x2  }
0xc9: {  	v6 =	vnsel vm1, $0x0, v6  }
0xca: {  	s26 =	simm.s32 $0x30;
	[tilespmem:s18+$0xFFFFFFD0] =	vst v6  }
0xcb: {  	v6 =	vld.idx.msk [tilespmem:v7+s15+$0x0], vm0;
	v7 =	vor.u32 s26, v1  }
0xcc: {  	vm1 =	vlt.s32 v7, v5  }
0xcd: {  	v7 =	vadd.s32 v4, v7;
	_ =	sdelay $0x2  }
0xce: {  	v6 =	vnsel vm0, $0x0, v6  }
0xcf: {  	s28 =	simm.s32 $0x40;
	[tilespmem:s18+$0xFFFFFFE0] =	vst v6  }
0xd0: {  	v6 =	vld.idx.msk [tilespmem:v7+s15+$0x0], vm1;
	v7 =	vor.u32 s28, v1  }
0xd1: {  	vm0 =	vlt.s32 v7, v5  }
0xd2: {  	v7 =	vadd.s32 v4, v7;
	_ =	sdelay $0x2  }
0xd3: {  	v6 =	vnsel vm1, $0x0, v6  }
0xd4: {  	s29 =	simm.s32 $0x50;
	[tilespmem:s18+$0xFFFFFFF0] =	vst v6  }
0xd5: {  	v6 =	vld.idx.msk [tilespmem:v7+s15+$0x0], vm0;
	v7 =	vor.u32 s29, v1  }
0xd6: {  	vm1 =	vlt.s32 v7, v5  }
0xd7: {  	v7 =	vadd.s32 v4, v7;
	_ =	sdelay $0x2  }
0xd8: {  	v6 =	vnsel vm0, $0x0, v6  }
0xd9: {  	s30 =	simm.s32 $0x60;
	[tilespmem:s18+$0x0] =	vst v6  }
0xda: {  	v6 =	vld.idx.msk [tilespmem:v7+s15+$0x0], vm1;
	v7 =	vor.u32 s30, v1  }
0xdb: {  	vm2 =	vlt.s32 v7, v5  }
0xdc: {  	v7 =	vadd.s32 v4, v7;
	_ =	sdelay $0x2  }
0xdd: {  	v6 =	vnsel vm1, $0x0, v6  }
0xde: {  	s31 =	simm.s32 $0x70;
	[tilespmem:s18+$0x10] =	vst v6  }
0xdf: {  	v6 =	vld.idx.msk [tilespmem:v7+s15+$0x0], vm2;
	v7 =	vor.u32 s31, v1  }
0xe0: {  	vm0 =	vlt.s32 v7, v5  }
0xe1: {  	v7 =	vadd.s32 v4, v7;
	_ =	sdelay $0x2  }
0xe2: {  	v6 =	vnsel vm2, $0x0, v6  }
0xe3: {  	[tilespmem:s18+$0x20] =	vst v6  }
0xe4: {  	s21 =	simm.s32 $0x80;
	s20 =	simm.s32 $0x170;
	s19 =	simm.s32 $0xF0;
	v6 =	vld.idx.msk [tilespmem:v7+s15+$0x0], vm0  }
.LBB2_6:
0xe5: {  	p3 =	sne.s32 s20, $0x7F0;
	v7 =	vor.u32 s21, v1  }
0xe6: {  	vm1 =	vlt.s32 v7, v5  }
0xe7: {  	v7 =	vadd.s32 v4, v7;
	_ =	sdelay $0x2  }
0xe8: {  	v6 =	vnsel vm0, $0x0, v6  }
0xe9: {  	[tilespmem:s18+$0x30] =	vst v6  }
0xea: {  	s21 =	sadd.s32 $0xFFFFFFA0, s19;
	v6 =	vld.idx.msk [tilespmem:v7+s15+$0x0], vm1  }
0xeb: {  	v7 =	vor.u32 s21, v1  }
0xec: {  	vm0 =	vlt.s32 v7, v5  }
0xed: {  	v7 =	vadd.s32 v4, v7;
	_ =	sdelay $0x2  }
0xee: {  	s18 =	sadd.s32 $0x80, s18;
	v6 =	vnsel vm1, $0x0, v6  }
0xef: {  	[tilespmem:s18+$0xFFFFFFC0] =	vst v6  }
0xf0: {  	s21 =	sadd.s32 $0xFFFFFFB0, s19;
	v6 =	vld.idx.msk [tilespmem:v7+s15+$0x0], vm0  }
0xf1: {  	v7 =	vor.u32 s21, v1  }
0xf2: {  	vm1 =	vlt.s32 v7, v5  }
0xf3: {  	v7 =	vadd.s32 v4, v7;
	_ =	sdelay $0x2  }
0xf4: {  	v6 =	vnsel vm0, $0x0, v6  }
0xf5: {  	[tilespmem:s18+$0xFFFFFFD0] =	vst v6  }
0xf6: {  	s21 =	sadd.s32 $0xFFFFFFC0, s19;
	v6 =	vld.idx.msk [tilespmem:v7+s15+$0x0], vm1  }
0xf7: {  	v7 =	vor.u32 s21, v1  }
0xf8: {  	vm0 =	vlt.s32 v7, v5  }
0xf9: {  	v7 =	vadd.s32 v4, v7;
	_ =	sdelay $0x2  }
0xfa: {  	v6 =	vnsel vm1, $0x0, v6  }
0xfb: {  	[tilespmem:s18+$0xFFFFFFE0] =	vst v6  }
0xfc: {  	s21 =	sadd.s32 $0xFFFFFFD0, s19;
	v6 =	vld.idx.msk [tilespmem:v7+s15+$0x0], vm0  }
0xfd: {  	v7 =	vor.u32 s21, v1  }
0xfe: {  	vm1 =	vlt.s32 v7, v5  }
0xff: {  	v7 =	vadd.s32 v4, v7;
	_ =	sdelay $0x2  }
0x100: {  	v6 =	vnsel vm0, $0x0, v6  }
0x101: {  	[tilespmem:s18+$0xFFFFFFF0] =	vst v6  }
0x102: {  	s21 =	sadd.s32 $0xFFFFFFE0, s19;
	v6 =	vld.idx.msk [tilespmem:v7+s15+$0x0], vm1  }
0x103: {  	v7 =	vor.u32 s21, v1  }
0x104: {  	vm0 =	vlt.s32 v7, v5  }
0x105: {  	v7 =	vadd.s32 v4, v7;
	_ =	sdelay $0x2  }
0x106: {  	v6 =	vnsel vm1, $0x0, v6  }
0x107: {  	[tilespmem:s18+$0x0] =	vst v6  }
0x108: {  	s21 =	sadd.s32 $0xFFFFFFF0, s19;
	v6 =	vld.idx.msk [tilespmem:v7+s15+$0x0], vm0  }
0x109: {  	v7 =	vor.u32 s21, v1  }
0x10a: {  	vm1 =	vlt.s32 v7, v5  }
0x10b: {  	v7 =	vadd.s32 v4, v7;
	_ =	sdelay $0x2  }
0x10c: {  	v6 =	vnsel vm0, $0x0, v6  }
0x10d: {  	[tilespmem:s18+$0x10] =	vst v6  }
0x10e: {  	v6 =	vld.idx.msk [tilespmem:v7+s15+$0x0], vm1  }
0x10f: {  	v7 =	vor.u32 s19, v1;
	s19 =	smov.u32 s20  }
0x110: {  	vm0 =	vlt.s32 v7, v5  }
0x111: {  	v7 =	vadd.s32 v4, v7  }
.Ltmp6:
0x112: {  	(pc) =	sbr.rel @p3 .LBB2_6-.Ltmp6, $4  }
0x113: {  	_ = 	snop  }
0x114: {  	v6 =	vnsel vm1, $0x0, v6  }
0x115: {  	[tilespmem:s18+$0x20] =	vst v6  }
0x116: {  	s20 =	sadd.s32 $0x80, s20;
	s21 =	sadd.s32 $0xFFFFFF90, s19;
	v6 =	vld.idx.msk [tilespmem:v7+s15+$0x0], vm0  }
0x117: {  	v7 =	vor.u32 s21, v1  }
0x118: {  	vm1 =	vlt.s32 v7, v5  }
0x119: {  	v7 =	vadd.s32 v4, v7;
	_ =	sdelay $0x2  }
0x11a: {  	v6 =	vnsel vm0, $0x0, v6  }
0x11b: {  	s20 =	sadd.s32 $0xFFFFFFA0, s19;
	[tilespmem:s18+$0x30] =	vst v6  }
0x11c: {  	v57 =	vor.u32 s20, v1;
	v6 =	vld.idx.msk [tilespmem:v7+s15+$0x0], vm1  }
0x11d: {  	vm9 =	vlt.s32 v57, v5  }
0x11e: {  	v7 =	vadd.s32 v4, v57;
	_ =	sdelay $0x2  }
0x11f: {  	s25 =	sadd.s32 $0x80, s18;
	v6 =	vnsel vm1, $0x0, v6  }
0x120: {  	s26 =	sadd.s32 $0xFFFFFFB0, s19;
	[tilespmem:s25+$0xFFFFFFC0] =	vst v6  }
0x121: {  	v58 =	vor.u32 s26, v1;
	v6 =	vld.idx.msk [tilespmem:v7+s15+$0x0], vm9  }
0x122: {  	vm10 =	vlt.s32 v58, v5  }
0x123: {  	v7 =	vadd.s32 v4, v58;
	_ =	sdelay $0x2  }
0x124: {  	v6 =	vnsel vm9, $0x0, v6  }
0x125: {  	s28 =	sadd.s32 $0xFFFFFFC0, s19;
	[tilespmem:s25+$0xFFFFFFD0] =	vst v6  }
0x126: {  	v59 =	vor.u32 s28, v1;
	v6 =	vld.idx.msk [tilespmem:v7+s15+$0x0], vm10  }
0x127: {  	vm11 =	vlt.s32 v59, v5  }
0x128: {  	v7 =	vadd.s32 v4, v59;
	_ =	sdelay $0x2  }
0x129: {  	v6 =	vnsel vm10, $0x0, v6  }
0x12a: {  	s29 =	sadd.s32 $0xFFFFFFD0, s19;
	[tilespmem:s25+$0xFFFFFFE0] =	vst v6  }
0x12b: {  	v60 =	vor.u32 s29, v1;
	v6 =	vld.idx.msk [tilespmem:v7+s15+$0x0], vm11  }
0x12c: {  	vm12 =	vlt.s32 v60, v5  }
0x12d: {  	v7 =	vadd.s32 v4, v60;
	_ =	sdelay $0x2  }
0x12e: {  	v6 =	vnsel vm11, $0x0, v6  }
0x12f: {  	s30 =	sadd.s32 $0xFFFFFFE0, s19;
	[tilespmem:s25+$0xFFFFFFF0] =	vst v6  }
0x130: {  	v61 =	vor.u32 s30, v1;
	v6 =	vld.idx.msk [tilespmem:v7+s15+$0x0], vm12  }
0x131: {  	vm13 =	vlt.s32 v61, v5  }
0x132: {  	v7 =	vadd.s32 v4, v61;
	_ =	sdelay $0x2  }
0x133: {  	v6 =	vnsel vm12, $0x0, v6  }
0x134: {  	s31 =	sadd.s32 $0xFFFFFFF0, s19;
	[tilespmem:s25+$0x0] =	vst v6  }
0x135: {  	v62 =	vor.u32 s31, v1;
	v6 =	vld.idx.msk [tilespmem:v7+s15+$0x0], vm13  }
0x136: {  	vm14 =	vlt.s32 v62, v5  }
0x137: {  	v7 =	vadd.s32 v4, v62;
	_ =	sdelay $0x2  }
0x138: {  	v6 =	vnsel vm13, $0x0, v6  }
0x139: {  	[tilespmem:s25+$0x10] =	vst v6  }
0x13a: {  	v63 =	vor.u32 s19, v1;
	v6 =	vld.idx.msk [tilespmem:v7+s15+$0x0], vm14  }
0x13b: {  	vm15 =	vlt.s32 v63, v5  }
0x13c: {  	v4 =	vadd.s32 v4, v63;
	_ =	sdelay $0x2  }
0x13d: {  	v5 =	vnsel vm14, $0x0, v6  }
0x13e: {  	[tilespmem:s25+$0x20] =	vst v5  }
0x13f: {  	v4 =	vld.idx.msk [tilespmem:v4+s15+$0x0], vm15;
	_ =	sdelay $0x4  }
0x140: {  	v4 =	vnsel vm15, $0x0, v4  }
0x141: {  	[tilespmem:s25+$0x30] =	vst v4  }
0x142: {  	[hbm4b:s7+s11] =	stream.strided.scatter [tilespmem:s16], [sflag:$0x1], $0x800, s12, s11, $0x38;
	[tilespmem:$0x2200] =	vst v63  }
.Ltmp7:
0x143: {  	_ = 	snop;
	(pc) =	sbr.rel @p2 .LBB2_9-.Ltmp7, $4  }
.Ltmp8:
0x144: {  	_ = 	snop;
	(pc) =	sbr.rel @!p2 .LBB2_8-.Ltmp8, $4  }
0x145: {  	_ =	swait.ge [sflag:s10], $0x800  }
0x146: {  	[sflag:s10] =	ssyncset.done $0x0  }
0x147: {  	s18 =	smov.u32 s5;
	[sflag:s10] =	ssyncadd.s32 $0xFFFFF800  }
0x148: {  	_ = 	snop  }
.LBB2_10:
0x149: {  	_ =	sfence.sel $0x180000  }
0x14a: {  	[bflag:$0x0] =	sbarrier.arrive $0xFFFF  }
0x14b: {  	_ =	strace $0x90000047  }
0x14c: {  	s0 =	sadd.s32 @!p2 $0x100000, s2;
	[bflag:$0x2] =	sbarrier.arrive $0xFFFF  }
0x14d: {  	[sflag:s0] =	ssyncadd.tile.s32 @!p2 $0x1;
	_ =	shalt  }
.Lfunc_end2:
_tile_overlayer_lowered:
.L_overlay_start_2:
0x14e: {  	(tag) =	ssettag $0x2  }
0x14f: {  	s0 =	rddreg [dreg:$0x0];
	s2 =	stileid.u32  }
0x150: {  	s1 =	rddreg [dreg:$0x1];
	p0 =	sne.s32 s2, $0x0  }
0x151: {  	s3 =	rddreg [dreg:$0x2];
	[bflag:$0x3] =	sbarrier.arrive $0xFFFF;
	s2 =	simm.s32 @!p0 $0x1C01  }
0x152: {  	[timem:s3], [sflag:s2] =	dma.local @!p0 [hbm:s0], s1  }
0x153: {  	s0 =	simm.s32 @!p0 $0x1  }
0x154: {  	_ =	swait.ge @!p0 [sflag:s0], s1  }
0x155: {  	s1 =	ssub.s32 @!p0 $0x0, s1;
	[sflag:s0] =	ssyncset.done @!p0 $0x0  }
0x156: {  	[sflag:s0] =	ssyncadd.s32 @!p0 s1  }
0x157: {  	[bflag:$0x3] =	sbarrier.arrive $0xFFFF  }
0x158: {  	_ =	shalt  }

</sc_bundles>
